<compile_context>
chip_gen: v7x
topology: tpu7x:2x2x1
jax: 0.10.2.dev20260603
libtpu: 0.0.44.dev20260713+nightly
codegen_flags: <defaults>
</compile_context>

<pallas_src>
import functools

import jax
import jax.numpy as jnp
from jax import lax
from jax.experimental import pallas as pl
from jax.experimental.pallas import tpu as pltpu
from jax.experimental.pallas import tpu_sc as plsc

N_TOKENS = 8192
D_MODEL = 768
HIDDEN = 256
NUM_EXPERTS = 16
TOP_K = 2

BLK = 2048

_NC = 2
_NS = 16
_NW = _NC * _NS
_RPW = N_TOKENS // _NW
_L = 16


def _mlp_body(x_ref, w1_ref, b1_ref, w2_ref, b2_ref, w3_ref, b3_ref,
              logits_ref):
    h = jnp.dot(x_ref[...], w1_ref[...], preferred_element_type=jnp.float32)
    h = jnp.maximum(h + b1_ref[...], 0.0)
    h = jnp.dot(h, w2_ref[...], preferred_element_type=jnp.float32)
    h = jnp.maximum(h + b2_ref[...], 0.0)
    lt = lax.dot_general(w3_ref[...], h, (((1,), (1,)), ((), ())),
                         preferred_element_type=jnp.float32)
    logits_ref[...] = lt + jnp.transpose(b3_ref[...])


def _mlp_logits_t(x, W1, b1, W2, b2, W3, b3):
    n = x.shape[0]
    full = lambda i: (0, 0)
    return pl.pallas_call(
        _mlp_body,
        grid=(n // BLK,),
        in_specs=[
            pl.BlockSpec((BLK, D_MODEL), lambda i: (i, 0)),
            pl.BlockSpec((D_MODEL, HIDDEN), full),
            pl.BlockSpec((1, HIDDEN), full),
            pl.BlockSpec((HIDDEN, HIDDEN // 2), full),
            pl.BlockSpec((1, HIDDEN // 2), full),
            pl.BlockSpec((NUM_EXPERTS, HIDDEN // 2), full),
            pl.BlockSpec((1, NUM_EXPERTS), full),
        ],
        out_specs=pl.BlockSpec((NUM_EXPERTS, BLK), lambda i: (0, i)),
        out_shape=jax.ShapeDtypeStruct((NUM_EXPERTS, n), jnp.float32),
    )(x, W1, b1.reshape(1, -1), W2, b2.reshape(1, -1), W3.T,
      b3.reshape(1, -1))


def _make_route_sc(n_tokens):
    rpw = n_tokens // _NW

    @functools.partial(
        pl.kernel,
        out_type=[
            jax.ShapeDtypeStruct((NUM_EXPERTS, n_tokens), jnp.float32),
            jax.ShapeDtypeStruct((TOP_K, n_tokens), jnp.int32),
        ],
        mesh=plsc.VectorSubcoreMesh(core_axis_name="c", subcore_axis_name="s"),
        compiler_params=pltpu.CompilerParams(needs_layout_passes=False),
        scratch_types=[
            pltpu.VMEM((NUM_EXPERTS, rpw), jnp.float32),
            pltpu.VMEM((NUM_EXPERTS, rpw), jnp.float32),
            pltpu.VMEM((TOP_K, rpw), jnp.int32),
        ],
    )
    def _route_sc(lgt_hbm, gates_hbm, idx_hbm, lgt_v, gates_v, idx_v):
        wid = lax.axis_index("s") * _NC + lax.axis_index("c")
        base = wid * rpw
        pltpu.sync_copy(lgt_hbm.at[:, pl.ds(base, rpw)], lgt_v)

        def chunk(c, _):
            off = c * _L
            m1 = lgt_v[0, pl.ds(off, _L)]
            m2 = jnp.full((_L,), -jnp.inf, jnp.float32)
            i1 = jnp.zeros((_L,), jnp.int32)
            i2 = jnp.zeros((_L,), jnp.int32)
            for e in range(1, NUM_EXPERTS):
                v = lgt_v[e, pl.ds(off, _L)]
                gt1 = v > m1
                gt2 = v > m2
                m2 = jnp.where(gt1, m1, jnp.where(gt2, v, m2))
                i2 = jnp.where(gt1, i1, jnp.where(gt2, e, i2))
                m1 = jnp.where(gt1, v, m1)
                i1 = jnp.where(gt1, e, i1)
            t = jnp.exp(m2 - m1)
            denom = t + 1.0
            g1 = 1.0 / denom
            g2 = t / denom
            zero = jnp.zeros((_L,), jnp.float32)
            for e in range(NUM_EXPERTS):
                gates_v[e, pl.ds(off, _L)] = jnp.where(
                    i1 == e, g1, jnp.where(i2 == e, g2, zero))
            idx_v[0, pl.ds(off, _L)] = i1
            idx_v[1, pl.ds(off, _L)] = i2
            return 0

        lax.fori_loop(0, rpw // _L, chunk, 0)
        pltpu.sync_copy(gates_v, gates_hbm.at[:, pl.ds(base, rpw)])
        pltpu.sync_copy(idx_v, idx_hbm.at[:, pl.ds(base, rpw)])

    return _route_sc


_route_sc = _make_route_sc(N_TOKENS)


def kernel(x, W1, b1, W2, b2, W3, b3):
    logits_t = _mlp_logits_t(x, W1, b1, W2, b2, W3, b3)
    gates_t, idx_t = _route_sc(logits_t)
    return gates_t.T, idx_t.T

# --- scband reference (transcript-rebuilt; emitter-appended) ---
"""Pipeline reference for scband-dynamic-mo-erouter-36575941492952 (READ-ONLY COPY).

The authoritative reference and input builder live on the scoring server;
editing this copy changes nothing except your own understanding.
"""

import jax, jax.numpy as jnp
import numpy as np

N_TOKENS = 8192
D_MODEL = 768
HIDDEN = 256
NUM_EXPERTS = 16
TOP_K = 2
TEMPERATURE = 1.0


def setup_inputs(seed: int = 0) -> dict:
    key = jax.random.key(seed)
    ks = jax.random.split(key, 7)
    x = jax.random.normal(ks[0], (N_TOKENS, D_MODEL), dtype=jnp.float32)
    W1 = jax.random.normal(ks[1], (D_MODEL, HIDDEN), dtype=jnp.float32) * 0.02
    b1 = jnp.zeros((HIDDEN,), dtype=jnp.float32)
    W2 = jax.random.normal(ks[2], (HIDDEN, HIDDEN // 2), dtype=jnp.float32) * 0.02
    b2 = jnp.zeros((HIDDEN // 2,), dtype=jnp.float32)
    W3 = jax.random.normal(ks[3], (HIDDEN // 2, NUM_EXPERTS), dtype=jnp.float32) * 0.02
    b3 = jnp.zeros((NUM_EXPERTS,), dtype=jnp.float32)
    return {"x": x, "W1": W1, "b1": b1, "W2": W2, "b2": b2, "W3": W3, "b3": b3}


def reference(x, W1, b1, W2, b2, W3, b3):
    # GatingNetwork.forward (eval mode: dropout off, no noise since training=False)
    h = jax.nn.relu(x @ W1 + b1)
    h = jax.nn.relu(h @ W2 + b2)
    gate_logits = h @ W3 + b3
    gate_logits = gate_logits / TEMPERATURE
    # _sparse_gating: top-k, softmax over top-k logits, scatter into dense gates
    top_k_logits, top_k_indices = jax.lax.top_k(gate_logits, TOP_K)
    top_k_gates = jax.nn.softmax(top_k_logits, axis=-1)
    rows = jnp.arange(gate_logits.shape[0])[:, None]
    gates = jnp.zeros_like(gate_logits).at[rows, top_k_indices].set(top_k_gates)
    return gates, top_k_indices

if __name__ == "__main__":
    import jax
    _d = setup_inputs()
    print(jax.jit(kernel)(*tuple(_d.values())))

</pallas_src>

<mosaic_0001>
#map = affine_map<(d0, d1) -> (0, 0)>
module attributes {stable_mosaic.version = 14 : i64} {
  func.func @_route_sc(%arg0: i32, %arg1: i32, %arg2: memref<16x8192xf32, #tpu.memory_space<hbm>>, %arg3: memref<16x8192xf32, #tpu.memory_space<hbm>>, %arg4: memref<2x8192xi32, #tpu.memory_space<hbm>>, %arg5: memref<16x256xf32, #tpu.memory_space<vmem>>, %arg6: memref<16x256xf32, #tpu.memory_space<vmem>>, %arg7: memref<2x256xi32, #tpu.memory_space<vmem>>) attributes {dimension_semantics = [#tpu.dimension_semantics<core_parallel>, #tpu.dimension_semantics<subcore_parallel>], iteration_bounds = array<i64: 2, 16>, scalar_prefetch = 0 : i64, scratch_operands = 3 : i64, tpu.core_type = #tpu.core_type<sc_vector_subcore>, window_params = [{transform_indices = #map}, {transform_indices = #map}, {transform_indices = #map}]} {
    %mul3A = arith.constant 2 : i32
    %mul3A_0 = arith.muli %arg1, %mul3A : i32
    %add3A = arith.addi %mul3A_0, %arg0 : i32
    %mul3A_1 = arith.constant 256 : i32
    %mul3A_2 = arith.muli %add3A, %mul3A_1 : i32
    "tpu.region"() ({
      %run_scoped3A = tpu.sem_alloc : memref<!tpu.dma_semaphore, #tpu.memory_space<semaphore_mem>>
      %dma_start3A = arith.constant 0 : i32
      %dma_start3A_9 = tpu.memref_slice %arg2[%dma_start3A, %mul3A_2] : memref<16x8192xf32, #tpu.memory_space<hbm>> -> memref<16x256xf32, #tpu.memory_space<hbm>>
      %dma_start3A_10 = arith.constant 0 : i32
      %dma_start3A_11 = tpu.memref_slice %arg2[%dma_start3A_10, %mul3A_2] : memref<16x8192xf32, #tpu.memory_space<hbm>> -> memref<16x256xf32, #tpu.memory_space<hbm>>
      tpu.enqueue_dma source(%dma_start3A_11 : memref<16x256xf32, #tpu.memory_space<hbm>>) target(%arg5 : memref<16x256xf32, #tpu.memory_space<vmem>>) target_semaphore(%run_scoped3A : memref<!tpu.dma_semaphore, #tpu.memory_space<semaphore_mem>>)
      %dma_wait3A = arith.constant 0 : i32
      %dma_wait3A_12 = tpu.memref_slice %arg2[%dma_wait3A, %mul3A_2] : memref<16x8192xf32, #tpu.memory_space<hbm>> -> memref<16x256xf32, #tpu.memory_space<hbm>>
      %dma_wait3A_13 = arith.constant 0 : i32
      %dma_wait3A_14 = tpu.memref_slice %arg2[%dma_wait3A_13, %mul3A_2] : memref<16x8192xf32, #tpu.memory_space<hbm>> -> memref<16x256xf32, #tpu.memory_space<hbm>>
      tpu.wait_dma2 semaphore(%run_scoped3A : memref<!tpu.dma_semaphore, #tpu.memory_space<semaphore_mem>>) src(%dma_wait3A_14 : memref<16x256xf32, #tpu.memory_space<hbm>>) dst(%arg5 : memref<16x256xf32, #tpu.memory_space<vmem>>)
      tpu.yield
    }) : () -> ()
    %scan3A = arith.constant 0 : i32
    %scan3A_3 = arith.constant 0 : i32
    %scan3A_4 = arith.constant 16 : i32
    %scan3A_5 = arith.addi %scan3A_3, %scan3A_4 : i32
    %scan3A_6 = arith.constant 1 : i32
    %scan3A_7 = scf.for %scan3A_9 = %scan3A_3 to %scan3A_5 step %scan3A_6 iter_args(%scan3A_10 = %scan3A) -> (i32)  : i32 {
      %mul3A_11 = arith.constant 16 : i32
      %mul3A_12 = arith.muli %scan3A_9, %mul3A_11 : i32
      %get3A = arith.constant 0 : i32
      %get3A_13 = arith.index_cast %get3A : i32 to index
      %get3A_14 = arith.index_cast %mul3A_12 : i32 to index
      %get3A_15 = tpu.vector_load %arg5[%get3A_13, %get3A_14] {strides = array<i32>} : memref<16x256xf32, #tpu.memory_space<vmem>>, vector<16xf32>,
      %broadcast_in_dim3A = arith.constant 0xFF800000 : f32
      %broadcast_in_dim3A_16 = vector.broadcast %broadcast_in_dim3A : f32 to vector<16xf32>
      %broadcast_in_dim3A_17 = arith.constant 0 : i32
      %broadcast_in_dim3A_18 = vector.broadcast %broadcast_in_dim3A_17 : i32 to vector<16xi32>
      %broadcast_in_dim3A_19 = arith.constant 0 : i32
      %broadcast_in_dim3A_20 = vector.broadcast %broadcast_in_dim3A_19 : i32 to vector<16xi32>
      %get3A_21 = arith.constant 1 : i32
      %get3A_22 = arith.index_cast %get3A_21 : i32 to index
      %get3A_23 = arith.index_cast %mul3A_12 : i32 to index
      %get3A_24 = tpu.vector_load %arg5[%get3A_22, %get3A_23] {strides = array<i32>} : memref<16x256xf32, #tpu.memory_space<vmem>>, vector<16xf32>,
      %gt3A = arith.cmpf ogt, %get3A_24, %get3A_15 : vector<16xf32>
      %gt3A_25 = arith.cmpf ogt, %get3A_24, %broadcast_in_dim3A_16 : vector<16xf32>
      %select_n3A = arith.select %gt3A_25, %get3A_24, %broadcast_in_dim3A_16 : vector<16xi1>, vector<16xf32>
      %select_n3A_26 = arith.select %gt3A, %get3A_15, %select_n3A : vector<16xi1>, vector<16xf32>
      %jit3A = arith.constant 1 : i32
      %broadcast_in_dim3A_27 = vector.broadcast %jit3A : i32 to vector<16xi32>
      %select_n3A_28 = arith.select %gt3A_25, %broadcast_in_dim3A_27, %broadcast_in_dim3A_20 : vector<16xi1>, vector<16xi32>
      %select_n3A_29 = arith.select %gt3A, %broadcast_in_dim3A_18, %select_n3A_28 : vector<16xi1>, vector<16xi32>
      %select_n3A_30 = arith.select %gt3A, %get3A_24, %get3A_15 : vector<16xi1>, vector<16xf32>
      %jit3A_31 = arith.constant 1 : i32
      %broadcast_in_dim3A_32 = vector.broadcast %jit3A_31 : i32 to vector<16xi32>
      %select_n3A_33 = arith.select %gt3A, %broadcast_in_dim3A_32, %broadcast_in_dim3A_18 : vector<16xi1>, vector<16xi32>
      %get3A_34 = arith.constant 2 : i32
      %get3A_35 = arith.index_cast %get3A_34 : i32 to index
      %get3A_36 = arith.index_cast %mul3A_12 : i32 to index
      %get3A_37 = tpu.vector_load %arg5[%get3A_35, %get3A_36] {strides = array<i32>} : memref<16x256xf32, #tpu.memory_space<vmem>>, vector<16xf32>,
      %gt3A_38 = arith.cmpf ogt, %get3A_37, %select_n3A_30 : vector<16xf32>
      %gt3A_39 = arith.cmpf ogt, %get3A_37, %select_n3A_26 : vector<16xf32>
      %select_n3A_40 = arith.select %gt3A_39, %get3A_37, %select_n3A_26 : vector<16xi1>, vector<16xf32>
      %select_n3A_41 = arith.select %gt3A_38, %select_n3A_30, %select_n3A_40 : vector<16xi1>, vector<16xf32>
      %jit3A_42 = arith.constant 2 : i32
      %broadcast_in_dim3A_43 = vector.broadcast %jit3A_42 : i32 to vector<16xi32>
      %select_n3A_44 = arith.select %gt3A_39, %broadcast_in_dim3A_43, %select_n3A_29 : vector<16xi1>, vector<16xi32>
      %select_n3A_45 = arith.select %gt3A_38, %select_n3A_33, %select_n3A_44 : vector<16xi1>, vector<16xi32>
      %select_n3A_46 = arith.select %gt3A_38, %get3A_37, %select_n3A_30 : vector<16xi1>, vector<16xf32>
      %jit3A_47 = arith.constant 2 : i32
      %broadcast_in_dim3A_48 = vector.broadcast %jit3A_47 : i32 to vector<16xi32>
      %select_n3A_49 = arith.select %gt3A_38, %broadcast_in_dim3A_48, %select_n3A_33 : vector<16xi1>, vector<16xi32>
      %get3A_50 = arith.constant 3 : i32
      %get3A_51 = arith.index_cast %get3A_50 : i32 to index
      %get3A_52 = arith.index_cast %mul3A_12 : i32 to index
      %get3A_53 = tpu.vector_load %arg5[%get3A_51, %get3A_52] {strides = array<i32>} : memref<16x256xf32, #tpu.memory_space<vmem>>, vector<16xf32>,
      %gt3A_54 = arith.cmpf ogt, %get3A_53, %select_n3A_46 : vector<16xf32>
      %gt3A_55 = arith.cmpf ogt, %get3A_53, %select_n3A_41 : vector<16xf32>
      %select_n3A_56 = arith.select %gt3A_55, %get3A_53, %select_n3A_41 : vector<16xi1>, vector<16xf32>
      %select_n3A_57 = arith.select %gt3A_54, %select_n3A_46, %select_n3A_56 : vector<16xi1>, vector<16xf32>
      %jit3A_58 = arith.constant 3 : i32
      %broadcast_in_dim3A_59 = vector.broadcast %jit3A_58 : i32 to vector<16xi32>
      %select_n3A_60 = arith.select %gt3A_55, %broadcast_in_dim3A_59, %select_n3A_45 : vector<16xi1>, vector<16xi32>
      %select_n3A_61 = arith.select %gt3A_54, %select_n3A_49, %select_n3A_60 : vector<16xi1>, vector<16xi32>
      %select_n3A_62 = arith.select %gt3A_54, %get3A_53, %select_n3A_46 : vector<16xi1>, vector<16xf32>
      %jit3A_63 = arith.constant 3 : i32
      %broadcast_in_dim3A_64 = vector.broadcast %jit3A_63 : i32 to vector<16xi32>
      %select_n3A_65 = arith.select %gt3A_54, %broadcast_in_dim3A_64, %select_n3A_49 : vector<16xi1>, vector<16xi32>
      %get3A_66 = arith.constant 4 : i32
      %get3A_67 = arith.index_cast %get3A_66 : i32 to index
      %get3A_68 = arith.index_cast %mul3A_12 : i32 to index
      %get3A_69 = tpu.vector_load %arg5[%get3A_67, %get3A_68] {strides = array<i32>} : memref<16x256xf32, #tpu.memory_space<vmem>>, vector<16xf32>,
      %gt3A_70 = arith.cmpf ogt, %get3A_69, %select_n3A_62 : vector<16xf32>
      %gt3A_71 = arith.cmpf ogt, %get3A_69, %select_n3A_57 : vector<16xf32>
      %select_n3A_72 = arith.select %gt3A_71, %get3A_69, %select_n3A_57 : vector<16xi1>, vector<16xf32>
      %select_n3A_73 = arith.select %gt3A_70, %select_n3A_62, %select_n3A_72 : vector<16xi1>, vector<16xf32>
      %jit3A_74 = arith.constant 4 : i32
      %broadcast_in_dim3A_75 = vector.broadcast %jit3A_74 : i32 to vector<16xi32>
      %select_n3A_76 = arith.select %gt3A_71, %broadcast_in_dim3A_75, %select_n3A_61 : vector<16xi1>, vector<16xi32>
      %select_n3A_77 = arith.select %gt3A_70, %select_n3A_65, %select_n3A_76 : vector<16xi1>, vector<16xi32>
      %select_n3A_78 = arith.select %gt3A_70, %get3A_69, %select_n3A_62 : vector<16xi1>, vector<16xf32>
      %jit3A_79 = arith.constant 4 : i32
      %broadcast_in_dim3A_80 = vector.broadcast %jit3A_79 : i32 to vector<16xi32>
      %select_n3A_81 = arith.select %gt3A_70, %broadcast_in_dim3A_80, %select_n3A_65 : vector<16xi1>, vector<16xi32>
      %get3A_82 = arith.constant 5 : i32
      %get3A_83 = arith.index_cast %get3A_82 : i32 to index
      %get3A_84 = arith.index_cast %mul3A_12 : i32 to index
      %get3A_85 = tpu.vector_load %arg5[%get3A_83, %get3A_84] {strides = array<i32>} : memref<16x256xf32, #tpu.memory_space<vmem>>, vector<16xf32>,
      %gt3A_86 = arith.cmpf ogt, %get3A_85, %select_n3A_78 : vector<16xf32>
      %gt3A_87 = arith.cmpf ogt, %get3A_85, %select_n3A_73 : vector<16xf32>
      %select_n3A_88 = arith.select %gt3A_87, %get3A_85, %select_n3A_73 : vector<16xi1>, vector<16xf32>
      %select_n3A_89 = arith.select %gt3A_86, %select_n3A_78, %select_n3A_88 : vector<16xi1>, vector<16xf32>
      %jit3A_90 = arith.constant 5 : i32
      %broadcast_in_dim3A_91 = vector.broadcast %jit3A_90 : i32 to vector<16xi32>
      %select_n3A_92 = arith.select %gt3A_87, %broadcast_in_dim3A_91, %select_n3A_77 : vector<16xi1>, vector<16xi32>
      %select_n3A_93 = arith.select %gt3A_86, %select_n3A_81, %select_n3A_92 : vector<16xi1>, vector<16xi32>
      %select_n3A_94 = arith.select %gt3A_86, %get3A_85, %select_n3A_78 : vector<16xi1>, vector<16xf32>
      %jit3A_95 = arith.constant 5 : i32
      %broadcast_in_dim3A_96 = vector.broadcast %jit3A_95 : i32 to vector<16xi32>
      %select_n3A_97 = arith.select %gt3A_86, %broadcast_in_dim3A_96, %select_n3A_81 : vector<16xi1>, vector<16xi32>
      %get3A_98 = arith.constant 6 : i32
      %get3A_99 = arith.index_cast %get3A_98 : i32 to index
      %get3A_100 = arith.index_cast %mul3A_12 : i32 to index
      %get3A_101 = tpu.vector_load %arg5[%get3A_99, %get3A_100] {strides = array<i32>} : memref<16x256xf32, #tpu.memory_space<vmem>>, vector<16xf32>,
      %gt3A_102 = arith.cmpf ogt, %get3A_101, %select_n3A_94 : vector<16xf32>
      %gt3A_103 = arith.cmpf ogt, %get3A_101, %select_n3A_89 : vector<16xf32>
      %select_n3A_104 = arith.select %gt3A_103, %get3A_101, %select_n3A_89 : vector<16xi1>, vector<16xf32>
      %select_n3A_105 = arith.select %gt3A_102, %select_n3A_94, %select_n3A_104 : vector<16xi1>, vector<16xf32>
      %jit3A_106 = arith.constant 6 : i32
      %broadcast_in_dim3A_107 = vector.broadcast %jit3A_106 : i32 to vector<16xi32>
      %select_n3A_108 = arith.select %gt3A_103, %broadcast_in_dim3A_107, %select_n3A_93 : vector<16xi1>, vector<16xi32>
      %select_n3A_109 = arith.select %gt3A_102, %select_n3A_97, %select_n3A_108 : vector<16xi1>, vector<16xi32>
      %select_n3A_110 = arith.select %gt3A_102, %get3A_101, %select_n3A_94 : vector<16xi1>, vector<16xf32>
      %jit3A_111 = arith.constant 6 : i32
      %broadcast_in_dim3A_112 = vector.broadcast %jit3A_111 : i32 to vector<16xi32>
      %select_n3A_113 = arith.select %gt3A_102, %broadcast_in_dim3A_112, %select_n3A_97 : vector<16xi1>, vector<16xi32>
      %get3A_114 = arith.constant 7 : i32
      %get3A_115 = arith.index_cast %get3A_114 : i32 to index
      %get3A_116 = arith.index_cast %mul3A_12 : i32 to index
      %get3A_117 = tpu.vector_load %arg5[%get3A_115, %get3A_116] {strides = array<i32>} : memref<16x256xf32, #tpu.memory_space<vmem>>, vector<16xf32>,
      %gt3A_118 = arith.cmpf ogt, %get3A_117, %select_n3A_110 : vector<16xf32>
      %gt3A_119 = arith.cmpf ogt, %get3A_117, %select_n3A_105 : vector<16xf32>
      %select_n3A_120 = arith.select %gt3A_119, %get3A_117, %select_n3A_105 : vector<16xi1>, vector<16xf32>
      %select_n3A_121 = arith.select %gt3A_118, %select_n3A_110, %select_n3A_120 : vector<16xi1>, vector<16xf32>
      %jit3A_122 = arith.constant 7 : i32
      %broadcast_in_dim3A_123 = vector.broadcast %jit3A_122 : i32 to vector<16xi32>
      %select_n3A_124 = arith.select %gt3A_119, %broadcast_in_dim3A_123, %select_n3A_109 : vector<16xi1>, vector<16xi32>
      %select_n3A_125 = arith.select %gt3A_118, %select_n3A_113, %select_n3A_124 : vector<16xi1>, vector<16xi32>
      %select_n3A_126 = arith.select %gt3A_118, %get3A_117, %select_n3A_110 : vector<16xi1>, vector<16xf32>
      %jit3A_127 = arith.constant 7 : i32
      %broadcast_in_dim3A_128 = vector.broadcast %jit3A_127 : i32 to vector<16xi32>
      %select_n3A_129 = arith.select %gt3A_118, %broadcast_in_dim3A_128, %select_n3A_113 : vector<16xi1>, vector<16xi32>
      %get3A_130 = arith.constant 8 : i32
      %get3A_131 = arith.index_cast %get3A_130 : i32 to index
      %get3A_132 = arith.index_cast %mul3A_12 : i32 to index
      %get3A_133 = tpu.vector_load %arg5[%get3A_131, %get3A_132] {strides = array<i32>} : memref<16x256xf32, #tpu.memory_space<vmem>>, vector<16xf32>,
      %gt3A_134 = arith.cmpf ogt, %get3A_133, %select_n3A_126 : vector<16xf32>
      %gt3A_135 = arith.cmpf ogt, %get3A_133, %select_n3A_121 : vector<16xf32>
      %select_n3A_136 = arith.select %gt3A_135, %get3A_133, %select_n3A_121 : vector<16xi1>, vector<16xf32>
      %select_n3A_137 = arith.select %gt3A_134, %select_n3A_126, %select_n3A_136 : vector<16xi1>, vector<16xf32>
      %jit3A_138 = arith.constant 8 : i32
      %broadcast_in_dim3A_139 = vector.broadcast %jit3A_138 : i32 to vector<16xi32>
      %select_n3A_140 = arith.select %gt3A_135, %broadcast_in_dim3A_139, %select_n3A_125 : vector<16xi1>, vector<16xi32>
      %select_n3A_141 = arith.select %gt3A_134, %select_n3A_129, %select_n3A_140 : vector<16xi1>, vector<16xi32>
      %select_n3A_142 = arith.select %gt3A_134, %get3A_133, %select_n3A_126 : vector<16xi1>, vector<16xf32>
      %jit3A_143 = arith.constant 8 : i32
      %broadcast_in_dim3A_144 = vector.broadcast %jit3A_143 : i32 to vector<16xi32>
      %select_n3A_145 = arith.select %gt3A_134, %broadcast_in_dim3A_144, %select_n3A_129 : vector<16xi1>, vector<16xi32>
      %get3A_146 = arith.constant 9 : i32
      %get3A_147 = arith.index_cast %get3A_146 : i32 to index
      %get3A_148 = arith.index_cast %mul3A_12 : i32 to index
      %get3A_149 = tpu.vector_load %arg5[%get3A_147, %get3A_148] {strides = array<i32>} : memref<16x256xf32, #tpu.memory_space<vmem>>, vector<16xf32>,
      %gt3A_150 = arith.cmpf ogt, %get3A_149, %select_n3A_142 : vector<16xf32>
      %gt3A_151 = arith.cmpf ogt, %get3A_149, %select_n3A_137 : vector<16xf32>
      %select_n3A_152 = arith.select %gt3A_151, %get3A_149, %select_n3A_137 : vector<16xi1>, vector<16xf32>
      %select_n3A_153 = arith.select %gt3A_150, %select_n3A_142, %select_n3A_152 : vector<16xi1>, vector<16xf32>
      %jit3A_154 = arith.constant 9 : i32
      %broadcast_in_dim3A_155 = vector.broadcast %jit3A_154 : i32 to vector<16xi32>
      %select_n3A_156 = arith.select %gt3A_151, %broadcast_in_dim3A_155, %select_n3A_141 : vector<16xi1>, vector<16xi32>
      %select_n3A_157 = arith.select %gt3A_150, %select_n3A_145, %select_n3A_156 : vector<16xi1>, vector<16xi32>
      %select_n3A_158 = arith.select %gt3A_150, %get3A_149, %select_n3A_142 : vector<16xi1>, vector<16xf32>
      %jit3A_159 = arith.constant 9 : i32
      %broadcast_in_dim3A_160 = vector.broadcast %jit3A_159 : i32 to vector<16xi32>
      %select_n3A_161 = arith.select %gt3A_150, %broadcast_in_dim3A_160, %select_n3A_145 : vector<16xi1>, vector<16xi32>
      %get3A_162 = arith.constant 10 : i32
      %get3A_163 = arith.index_cast %get3A_162 : i32 to index
      %get3A_164 = arith.index_cast %mul3A_12 : i32 to index
      %get3A_165 = tpu.vector_load %arg5[%get3A_163, %get3A_164] {strides = array<i32>} : memref<16x256xf32, #tpu.memory_space<vmem>>, vector<16xf32>,
      %gt3A_166 = arith.cmpf ogt, %get3A_165, %select_n3A_158 : vector<16xf32>
      %gt3A_167 = arith.cmpf ogt, %get3A_165, %select_n3A_153 : vector<16xf32>
      %select_n3A_168 = arith.select %gt3A_167, %get3A_165, %select_n3A_153 : vector<16xi1>, vector<16xf32>
      %select_n3A_169 = arith.select %gt3A_166, %select_n3A_158, %select_n3A_168 : vector<16xi1>, vector<16xf32>
      %jit3A_170 = arith.constant 10 : i32
      %broadcast_in_dim3A_171 = vector.broadcast %jit3A_170 : i32 to vector<16xi32>
      %select_n3A_172 = arith.select %gt3A_167, %broadcast_in_dim3A_171, %select_n3A_157 : vector<16xi1>, vector<16xi32>
      %select_n3A_173 = arith.select %gt3A_166, %select_n3A_161, %select_n3A_172 : vector<16xi1>, vector<16xi32>
      %select_n3A_174 = arith.select %gt3A_166, %get3A_165, %select_n3A_158 : vector<16xi1>, vector<16xf32>
      %jit3A_175 = arith.constant 10 : i32
      %broadcast_in_dim3A_176 = vector.broadcast %jit3A_175 : i32 to vector<16xi32>
      %select_n3A_177 = arith.select %gt3A_166, %broadcast_in_dim3A_176, %select_n3A_161 : vector<16xi1>, vector<16xi32>
      %get3A_178 = arith.constant 11 : i32
      %get3A_179 = arith.index_cast %get3A_178 : i32 to index
      %get3A_180 = arith.index_cast %mul3A_12 : i32 to index
      %get3A_181 = tpu.vector_load %arg5[%get3A_179, %get3A_180] {strides = array<i32>} : memref<16x256xf32, #tpu.memory_space<vmem>>, vector<16xf32>,
      %gt3A_182 = arith.cmpf ogt, %get3A_181, %select_n3A_174 : vector<16xf32>
      %gt3A_183 = arith.cmpf ogt, %get3A_181, %select_n3A_169 : vector<16xf32>
      %select_n3A_184 = arith.select %gt3A_183, %get3A_181, %select_n3A_169 : vector<16xi1>, vector<16xf32>
      %select_n3A_185 = arith.select %gt3A_182, %select_n3A_174, %select_n3A_184 : vector<16xi1>, vector<16xf32>
      %jit3A_186 = arith.constant 11 : i32
      %broadcast_in_dim3A_187 = vector.broadcast %jit3A_186 : i32 to vector<16xi32>
      %select_n3A_188 = arith.select %gt3A_183, %broadcast_in_dim3A_187, %select_n3A_173 : vector<16xi1>, vector<16xi32>
      %select_n3A_189 = arith.select %gt3A_182, %select_n3A_177, %select_n3A_188 : vector<16xi1>, vector<16xi32>
      %select_n3A_190 = arith.select %gt3A_182, %get3A_181, %select_n3A_174 : vector<16xi1>, vector<16xf32>
      %jit3A_191 = arith.constant 11 : i32
      %broadcast_in_dim3A_192 = vector.broadcast %jit3A_191 : i32 to vector<16xi32>
      %select_n3A_193 = arith.select %gt3A_182, %broadcast_in_dim3A_192, %select_n3A_177 : vector<16xi1>, vector<16xi32>
      %get3A_194 = arith.constant 12 : i32
      %get3A_195 = arith.index_cast %get3A_194 : i32 to index
      %get3A_196 = arith.index_cast %mul3A_12 : i32 to index
      %get3A_197 = tpu.vector_load %arg5[%get3A_195, %get3A_196] {strides = array<i32>} : memref<16x256xf32, #tpu.memory_space<vmem>>, vector<16xf32>,
      %gt3A_198 = arith.cmpf ogt, %get3A_197, %select_n3A_190 : vector<16xf32>
      %gt3A_199 = arith.cmpf ogt, %get3A_197, %select_n3A_185 : vector<16xf32>
      %select_n3A_200 = arith.select %gt3A_199, %get3A_197, %select_n3A_185 : vector<16xi1>, vector<16xf32>
      %select_n3A_201 = arith.select %gt3A_198, %select_n3A_190, %select_n3A_200 : vector<16xi1>, vector<16xf32>
      %jit3A_202 = arith.constant 12 : i32
      %broadcast_in_dim3A_203 = vector.broadcast %jit3A_202 : i32 to vector<16xi32>
      %select_n3A_204 = arith.select %gt3A_199, %broadcast_in_dim3A_203, %select_n3A_189 : vector<16xi1>, vector<16xi32>
      %select_n3A_205 = arith.select %gt3A_198, %select_n3A_193, %select_n3A_204 : vector<16xi1>, vector<16xi32>
      %select_n3A_206 = arith.select %gt3A_198, %get3A_197, %select_n3A_190 : vector<16xi1>, vector<16xf32>
      %jit3A_207 = arith.constant 12 : i32
      %broadcast_in_dim3A_208 = vector.broadcast %jit3A_207 : i32 to vector<16xi32>
      %select_n3A_209 = arith.select %gt3A_198, %broadcast_in_dim3A_208, %select_n3A_193 : vector<16xi1>, vector<16xi32>
      %get3A_210 = arith.constant 13 : i32
      %get3A_211 = arith.index_cast %get3A_210 : i32 to index
      %get3A_212 = arith.index_cast %mul3A_12 : i32 to index
      %get3A_213 = tpu.vector_load %arg5[%get3A_211, %get3A_212] {strides = array<i32>} : memref<16x256xf32, #tpu.memory_space<vmem>>, vector<16xf32>,
      %gt3A_214 = arith.cmpf ogt, %get3A_213, %select_n3A_206 : vector<16xf32>
      %gt3A_215 = arith.cmpf ogt, %get3A_213, %select_n3A_201 : vector<16xf32>
      %select_n3A_216 = arith.select %gt3A_215, %get3A_213, %select_n3A_201 : vector<16xi1>, vector<16xf32>
      %select_n3A_217 = arith.select %gt3A_214, %select_n3A_206, %select_n3A_216 : vector<16xi1>, vector<16xf32>
      %jit3A_218 = arith.constant 13 : i32
      %broadcast_in_dim3A_219 = vector.broadcast %jit3A_218 : i32 to vector<16xi32>
      %select_n3A_220 = arith.select %gt3A_215, %broadcast_in_dim3A_219, %select_n3A_205 : vector<16xi1>, vector<16xi32>
      %select_n3A_221 = arith.select %gt3A_214, %select_n3A_209, %select_n3A_220 : vector<16xi1>, vector<16xi32>
      %select_n3A_222 = arith.select %gt3A_214, %get3A_213, %select_n3A_206 : vector<16xi1>, vector<16xf32>
      %jit3A_223 = arith.constant 13 : i32
      %broadcast_in_dim3A_224 = vector.broadcast %jit3A_223 : i32 to vector<16xi32>
      %select_n3A_225 = arith.select %gt3A_214, %broadcast_in_dim3A_224, %select_n3A_209 : vector<16xi1>, vector<16xi32>
      %get3A_226 = arith.constant 14 : i32
      %get3A_227 = arith.index_cast %get3A_226 : i32 to index
      %get3A_228 = arith.index_cast %mul3A_12 : i32 to index
      %get3A_229 = tpu.vector_load %arg5[%get3A_227, %get3A_228] {strides = array<i32>} : memref<16x256xf32, #tpu.memory_space<vmem>>, vector<16xf32>,
      %gt3A_230 = arith.cmpf ogt, %get3A_229, %select_n3A_222 : vector<16xf32>
      %gt3A_231 = arith.cmpf ogt, %get3A_229, %select_n3A_217 : vector<16xf32>
      %select_n3A_232 = arith.select %gt3A_231, %get3A_229, %select_n3A_217 : vector<16xi1>, vector<16xf32>
      %select_n3A_233 = arith.select %gt3A_230, %select_n3A_222, %select_n3A_232 : vector<16xi1>, vector<16xf32>
      %jit3A_234 = arith.constant 14 : i32
      %broadcast_in_dim3A_235 = vector.broadcast %jit3A_234 : i32 to vector<16xi32>
      %select_n3A_236 = arith.select %gt3A_231, %broadcast_in_dim3A_235, %select_n3A_221 : vector<16xi1>, vector<16xi32>
      %select_n3A_237 = arith.select %gt3A_230, %select_n3A_225, %select_n3A_236 : vector<16xi1>, vector<16xi32>
      %select_n3A_238 = arith.select %gt3A_230, %get3A_229, %select_n3A_222 : vector<16xi1>, vector<16xf32>
      %jit3A_239 = arith.constant 14 : i32
      %broadcast_in_dim3A_240 = vector.broadcast %jit3A_239 : i32 to vector<16xi32>
      %select_n3A_241 = arith.select %gt3A_230, %broadcast_in_dim3A_240, %select_n3A_225 : vector<16xi1>, vector<16xi32>
      %get3A_242 = arith.constant 15 : i32
      %get3A_243 = arith.index_cast %get3A_242 : i32 to index
      %get3A_244 = arith.index_cast %mul3A_12 : i32 to index
      %get3A_245 = tpu.vector_load %arg5[%get3A_243, %get3A_244] {strides = array<i32>} : memref<16x256xf32, #tpu.memory_space<vmem>>, vector<16xf32>,
      %gt3A_246 = arith.cmpf ogt, %get3A_245, %select_n3A_238 : vector<16xf32>
      %gt3A_247 = arith.cmpf ogt, %get3A_245, %select_n3A_233 : vector<16xf32>
      %select_n3A_248 = arith.select %gt3A_247, %get3A_245, %select_n3A_233 : vector<16xi1>, vector<16xf32>
      %select_n3A_249 = arith.select %gt3A_246, %select_n3A_238, %select_n3A_248 : vector<16xi1>, vector<16xf32>
      %jit3A_250 = arith.constant 15 : i32
      %broadcast_in_dim3A_251 = vector.broadcast %jit3A_250 : i32 to vector<16xi32>
      %select_n3A_252 = arith.select %gt3A_247, %broadcast_in_dim3A_251, %select_n3A_237 : vector<16xi1>, vector<16xi32>
      %select_n3A_253 = arith.select %gt3A_246, %select_n3A_241, %select_n3A_252 : vector<16xi1>, vector<16xi32>
      %select_n3A_254 = arith.select %gt3A_246, %get3A_245, %select_n3A_238 : vector<16xi1>, vector<16xf32>
      %jit3A_255 = arith.constant 15 : i32
      %broadcast_in_dim3A_256 = vector.broadcast %jit3A_255 : i32 to vector<16xi32>
      %select_n3A_257 = arith.select %gt3A_246, %broadcast_in_dim3A_256, %select_n3A_241 : vector<16xi1>, vector<16xi32>
      %sub3A = arith.subf %select_n3A_249, %select_n3A_254 : vector<16xf32>
      %exp3A = math.exp %sub3A : vector<16xf32>
      %add3A_258 = arith.constant 1.000000e+00 : f32
      %add3A_259 = vector.broadcast %add3A_258 : f32 to vector<16xf32>
      %add3A_260 = arith.addf %exp3A, %add3A_259 : vector<16xf32>
      %div3A = arith.constant 1.000000e+00 : f32
      %div3A_261 = vector.broadcast %div3A : f32 to vector<16xf32>
      %div3A_262 = arith.divf %div3A_261, %add3A_260 : vector<16xf32>
      %div3A_263 = arith.divf %exp3A, %add3A_260 : vector<16xf32>
      %broadcast_in_dim3A_264 = arith.constant 0.000000e+00 : f32
      %broadcast_in_dim3A_265 = vector.broadcast %broadcast_in_dim3A_264 : f32 to vector<16xf32>
      %eq3A = arith.constant 0 : i32
      %eq3A_266 = vector.broadcast %eq3A : i32 to vector<16xi32>
      %eq3A_267 = arith.cmpi eq, %select_n3A_257, %eq3A_266 : vector<16xi32>
      %eq3A_268 = arith.constant 0 : i32
      %eq3A_269 = vector.broadcast %eq3A_268 : i32 to vector<16xi32>
      %eq3A_270 = arith.cmpi eq, %select_n3A_253, %eq3A_269 : vector<16xi32>
      %select_n3A_271 = arith.select %eq3A_270, %div3A_263, %broadcast_in_dim3A_265 : vector<16xi1>, vector<16xf32>
      %select_n3A_272 = arith.select %eq3A_267, %div3A_262, %select_n3A_271 : vector<16xi1>, vector<16xf32>
      %swap3A = arith.constant 0 : i32
      %swap3A_273 = arith.index_cast %swap3A : i32 to index
      %swap3A_274 = arith.index_cast %mul3A_12 : i32 to index
      %swap3A_275 = tpu.vector_load %arg6[%swap3A_273, %swap3A_274] {strides = array<i32>} : memref<16x256xf32, #tpu.memory_space<vmem>>, vector<16xf32>,
      tpu.vector_store %arg6[%swap3A_273, %swap3A_274], %select_n3A_272 {strides = array<i32>} : memref<16x256xf32, #tpu.memory_space<vmem>>, vector<16xf32>,
      %eq3A_276 = arith.constant 1 : i32
      %eq3A_277 = vector.broadcast %eq3A_276 : i32 to vector<16xi32>
      %eq3A_278 = arith.cmpi eq, %select_n3A_257, %eq3A_277 : vector<16xi32>
      %eq3A_279 = arith.constant 1 : i32
      %eq3A_280 = vector.broadcast %eq3A_279 : i32 to vector<16xi32>
      %eq3A_281 = arith.cmpi eq, %select_n3A_253, %eq3A_280 : vector<16xi32>
      %select_n3A_282 = arith.select %eq3A_281, %div3A_263, %broadcast_in_dim3A_265 : vector<16xi1>, vector<16xf32>
      %select_n3A_283 = arith.select %eq3A_278, %div3A_262, %select_n3A_282 : vector<16xi1>, vector<16xf32>
      %swap3A_284 = arith.constant 1 : i32
      %swap3A_285 = arith.index_cast %swap3A_284 : i32 to index
      %swap3A_286 = arith.index_cast %mul3A_12 : i32 to index
      %swap3A_287 = tpu.vector_load %arg6[%swap3A_285, %swap3A_286] {strides = array<i32>} : memref<16x256xf32, #tpu.memory_space<vmem>>, vector<16xf32>,
      tpu.vector_store %arg6[%swap3A_285, %swap3A_286], %select_n3A_283 {strides = array<i32>} : memref<16x256xf32, #tpu.memory_space<vmem>>, vector<16xf32>,
      %eq3A_288 = arith.constant 2 : i32
      %eq3A_289 = vector.broadcast %eq3A_288 : i32 to vector<16xi32>
      %eq3A_290 = arith.cmpi eq, %select_n3A_257, %eq3A_289 : vector<16xi32>
      %eq3A_291 = arith.constant 2 : i32
      %eq3A_292 = vector.broadcast %eq3A_291 : i32 to vector<16xi32>
      %eq3A_293 = arith.cmpi eq, %select_n3A_253, %eq3A_292 : vector<16xi32>
      %select_n3A_294 = arith.select %eq3A_293, %div3A_263, %broadcast_in_dim3A_265 : vector<16xi1>, vector<16xf32>
      %select_n3A_295 = arith.select %eq3A_290, %div3A_262, %select_n3A_294 : vector<16xi1>, vector<16xf32>
      %swap3A_296 = arith.constant 2 : i32
      %swap3A_297 = arith.index_cast %swap3A_296 : i32 to index
      %swap3A_298 = arith.index_cast %mul3A_12 : i32 to index
      %swap3A_299 = tpu.vector_load %arg6[%swap3A_297, %swap3A_298] {strides = array<i32>} : memref<16x256xf32, #tpu.memory_space<vmem>>, vector<16xf32>,
      tpu.vector_store %arg6[%swap3A_297, %swap3A_298], %select_n3A_295 {strides = array<i32>} : memref<16x256xf32, #tpu.memory_space<vmem>>, vector<16xf32>,
      %eq3A_300 = arith.constant 3 : i32
      %eq3A_301 = vector.broadcast %eq3A_300 : i32 to vector<16xi32>
      %eq3A_302 = arith.cmpi eq, %select_n3A_257, %eq3A_301 : vector<16xi32>
      %eq3A_303 = arith.constant 3 : i32
      %eq3A_304 = vector.broadcast %eq3A_303 : i32 to vector<16xi32>
      %eq3A_305 = arith.cmpi eq, %select_n3A_253, %eq3A_304 : vector<16xi32>
      %select_n3A_306 = arith.select %eq3A_305, %div3A_263, %broadcast_in_dim3A_265 : vector<16xi1>, vector<16xf32>
      %select_n3A_307 = arith.select %eq3A_302, %div3A_262, %select_n3A_306 : vector<16xi1>, vector<16xf32>
      %swap3A_308 = arith.constant 3 : i32
      %swap3A_309 = arith.index_cast %swap3A_308 : i32 to index
      %swap3A_310 = arith.index_cast %mul3A_12 : i32 to index
      %swap3A_311 = tpu.vector_load %arg6[%swap3A_309, %swap3A_310] {strides = array<i32>} : memref<16x256xf32, #tpu.memory_space<vmem>>, vector<16xf32>,
      tpu.vector_store %arg6[%swap3A_309, %swap3A_310], %select_n3A_307 {strides = array<i32>} : memref<16x256xf32, #tpu.memory_space<vmem>>, vector<16xf32>,
      %eq3A_312 = arith.constant 4 : i32
      %eq3A_313 = vector.broadcast %eq3A_312 : i32 to vector<16xi32>
      %eq3A_314 = arith.cmpi eq, %select_n3A_257, %eq3A_313 : vector<16xi32>
      %eq3A_315 = arith.constant 4 : i32
      %eq3A_316 = vector.broadcast %eq3A_315 : i32 to vector<16xi32>
      %eq3A_317 = arith.cmpi eq, %select_n3A_253, %eq3A_316 : vector<16xi32>
      %select_n3A_318 = arith.select %eq3A_317, %div3A_263, %broadcast_in_dim3A_265 : vector<16xi1>, vector<16xf32>
      %select_n3A_319 = arith.select %eq3A_314, %div3A_262, %select_n3A_318 : vector<16xi1>, vector<16xf32>
      %swap3A_320 = arith.constant 4 : i32
      %swap3A_321 = arith.index_cast %swap3A_320 : i32 to index
      %swap3A_322 = arith.index_cast %mul3A_12 : i32 to index
      %swap3A_323 = tpu.vector_load %arg6[%swap3A_321, %swap3A_322] {strides = array<i32>} : memref<16x256xf32, #tpu.memory_space<vmem>>, vector<16xf32>,
      tpu.vector_store %arg6[%swap3A_321, %swap3A_322], %select_n3A_319 {strides = array<i32>} : memref<16x256xf32, #tpu.memory_space<vmem>>, vector<16xf32>,
      %eq3A_324 = arith.constant 5 : i32
      %eq3A_325 = vector.broadcast %eq3A_324 : i32 to vector<16xi32>
      %eq3A_326 = arith.cmpi eq, %select_n3A_257, %eq3A_325 : vector<16xi32>
      %eq3A_327 = arith.constant 5 : i32
      %eq3A_328 = vector.broadcast %eq3A_327 : i32 to vector<16xi32>
      %eq3A_329 = arith.cmpi eq, %select_n3A_253, %eq3A_328 : vector<16xi32>
      %select_n3A_330 = arith.select %eq3A_329, %div3A_263, %broadcast_in_dim3A_265 : vector<16xi1>, vector<16xf32>
      %select_n3A_331 = arith.select %eq3A_326, %div3A_262, %select_n3A_330 : vector<16xi1>, vector<16xf32>
      %swap3A_332 = arith.constant 5 : i32
      %swap3A_333 = arith.index_cast %swap3A_332 : i32 to index
      %swap3A_334 = arith.index_cast %mul3A_12 : i32 to index
      %swap3A_335 = tpu.vector_load %arg6[%swap3A_333, %swap3A_334] {strides = array<i32>} : memref<16x256xf32, #tpu.memory_space<vmem>>, vector<16xf32>,
      tpu.vector_store %arg6[%swap3A_333, %swap3A_334], %select_n3A_331 {strides = array<i32>} : memref<16x256xf32, #tpu.memory_space<vmem>>, vector<16xf32>,
      %eq3A_336 = arith.constant 6 : i32
      %eq3A_337 = vector.broadcast %eq3A_336 : i32 to vector<16xi32>
      %eq3A_338 = arith.cmpi eq, %select_n3A_257, %eq3A_337 : vector<16xi32>
      %eq3A_339 = arith.constant 6 : i32
      %eq3A_340 = vector.broadcast %eq3A_339 : i32 to vector<16xi32>
      %eq3A_341 = arith.cmpi eq, %select_n3A_253, %eq3A_340 : vector<16xi32>
      %select_n3A_342 = arith.select %eq3A_341, %div3A_263, %broadcast_in_dim3A_265 : vector<16xi1>, vector<16xf32>
      %select_n3A_343 = arith.select %eq3A_338, %div3A_262, %select_n3A_342 : vector<16xi1>, vector<16xf32>
      %swap3A_344 = arith.constant 6 : i32
      %swap3A_345 = arith.index_cast %swap3A_344 : i32 to index
      %swap3A_346 = arith.index_cast %mul3A_12 : i32 to index
      %swap3A_347 = tpu.vector_load %arg6[%swap3A_345, %swap3A_346] {strides = array<i32>} : memref<16x256xf32, #tpu.memory_space<vmem>>, vector<16xf32>,
      tpu.vector_store %arg6[%swap3A_345, %swap3A_346], %select_n3A_343 {strides = array<i32>} : memref<16x256xf32, #tpu.memory_space<vmem>>, vector<16xf32>,
      %eq3A_348 = arith.constant 7 : i32
      %eq3A_349 = vector.broadcast %eq3A_348 : i32 to vector<16xi32>
      %eq3A_350 = arith.cmpi eq, %select_n3A_257, %eq3A_349 : vector<16xi32>
      %eq3A_351 = arith.constant 7 : i32
      %eq3A_352 = vector.broadcast %eq3A_351 : i32 to vector<16xi32>
      %eq3A_353 = arith.cmpi eq, %select_n3A_253, %eq3A_352 : vector<16xi32>
      %select_n3A_354 = arith.select %eq3A_353, %div3A_263, %broadcast_in_dim3A_265 : vector<16xi1>, vector<16xf32>
      %select_n3A_355 = arith.select %eq3A_350, %div3A_262, %select_n3A_354 : vector<16xi1>, vector<16xf32>
      %swap3A_356 = arith.constant 7 : i32
      %swap3A_357 = arith.index_cast %swap3A_356 : i32 to index
      %swap3A_358 = arith.index_cast %mul3A_12 : i32 to index
      %swap3A_359 = tpu.vector_load %arg6[%swap3A_357, %swap3A_358] {strides = array<i32>} : memref<16x256xf32, #tpu.memory_space<vmem>>, vector<16xf32>,
      tpu.vector_store %arg6[%swap3A_357, %swap3A_358], %select_n3A_355 {strides = array<i32>} : memref<16x256xf32, #tpu.memory_space<vmem>>, vector<16xf32>,
      %eq3A_360 = arith.constant 8 : i32
      %eq3A_361 = vector.broadcast %eq3A_360 : i32 to vector<16xi32>
      %eq3A_362 = arith.cmpi eq, %select_n3A_257, %eq3A_361 : vector<16xi32>
      %eq3A_363 = arith.constant 8 : i32
      %eq3A_364 = vector.broadcast %eq3A_363 : i32 to vector<16xi32>
      %eq3A_365 = arith.cmpi eq, %select_n3A_253, %eq3A_364 : vector<16xi32>
      %select_n3A_366 = arith.select %eq3A_365, %div3A_263, %broadcast_in_dim3A_265 : vector<16xi1>, vector<16xf32>
      %select_n3A_367 = arith.select %eq3A_362, %div3A_262, %select_n3A_366 : vector<16xi1>, vector<16xf32>
      %swap3A_368 = arith.constant 8 : i32
      %swap3A_369 = arith.index_cast %swap3A_368 : i32 to index
      %swap3A_370 = arith.index_cast %mul3A_12 : i32 to index
      %swap3A_371 = tpu.vector_load %arg6[%swap3A_369, %swap3A_370] {strides = array<i32>} : memref<16x256xf32, #tpu.memory_space<vmem>>, vector<16xf32>,
      tpu.vector_store %arg6[%swap3A_369, %swap3A_370], %select_n3A_367 {strides = array<i32>} : memref<16x256xf32, #tpu.memory_space<vmem>>, vector<16xf32>,
      %eq3A_372 = arith.constant 9 : i32
      %eq3A_373 = vector.broadcast %eq3A_372 : i32 to vector<16xi32>
      %eq3A_374 = arith.cmpi eq, %select_n3A_257, %eq3A_373 : vector<16xi32>
      %eq3A_375 = arith.constant 9 : i32
      %eq3A_376 = vector.broadcast %eq3A_375 : i32 to vector<16xi32>
      %eq3A_377 = arith.cmpi eq, %select_n3A_253, %eq3A_376 : vector<16xi32>
      %select_n3A_378 = arith.select %eq3A_377, %div3A_263, %broadcast_in_dim3A_265 : vector<16xi1>, vector<16xf32>
      %select_n3A_379 = arith.select %eq3A_374, %div3A_262, %select_n3A_378 : vector<16xi1>, vector<16xf32>
      %swap3A_380 = arith.constant 9 : i32
      %swap3A_381 = arith.index_cast %swap3A_380 : i32 to index
      %swap3A_382 = arith.index_cast %mul3A_12 : i32 to index
      %swap3A_383 = tpu.vector_load %arg6[%swap3A_381, %swap3A_382] {strides = array<i32>} : memref<16x256xf32, #tpu.memory_space<vmem>>, vector<16xf32>,
      tpu.vector_store %arg6[%swap3A_381, %swap3A_382], %select_n3A_379 {strides = array<i32>} : memref<16x256xf32, #tpu.memory_space<vmem>>, vector<16xf32>,
      %eq3A_384 = arith.constant 10 : i32
      %eq3A_385 = vector.broadcast %eq3A_384 : i32 to vector<16xi32>
      %eq3A_386 = arith.cmpi eq, %select_n3A_257, %eq3A_385 : vector<16xi32>
      %eq3A_387 = arith.constant 10 : i32
      %eq3A_388 = vector.broadcast %eq3A_387 : i32 to vector<16xi32>
      %eq3A_389 = arith.cmpi eq, %select_n3A_253, %eq3A_388 : vector<16xi32>
      %select_n3A_390 = arith.select %eq3A_389, %div3A_263, %broadcast_in_dim3A_265 : vector<16xi1>, vector<16xf32>
      %select_n3A_391 = arith.select %eq3A_386, %div3A_262, %select_n3A_390 : vector<16xi1>, vector<16xf32>
      %swap3A_392 = arith.constant 10 : i32
      %swap3A_393 = arith.index_cast %swap3A_392 : i32 to index
      %swap3A_394 = arith.index_cast %mul3A_12 : i32 to index
      %swap3A_395 = tpu.vector_load %arg6[%swap3A_393, %swap3A_394] {strides = array<i32>} : memref<16x256xf32, #tpu.memory_space<vmem>>, vector<16xf32>,
      tpu.vector_store %arg6[%swap3A_393, %swap3A_394], %select_n3A_391 {strides = array<i32>} : memref<16x256xf32, #tpu.memory_space<vmem>>, vector<16xf32>,
      %eq3A_396 = arith.constant 11 : i32
      %eq3A_397 = vector.broadcast %eq3A_396 : i32 to vector<16xi32>
      %eq3A_398 = arith.cmpi eq, %select_n3A_257, %eq3A_397 : vector<16xi32>
      %eq3A_399 = arith.constant 11 : i32
      %eq3A_400 = vector.broadcast %eq3A_399 : i32 to vector<16xi32>
      %eq3A_401 = arith.cmpi eq, %select_n3A_253, %eq3A_400 : vector<16xi32>
      %select_n3A_402 = arith.select %eq3A_401, %div3A_263, %broadcast_in_dim3A_265 : vector<16xi1>, vector<16xf32>
      %select_n3A_403 = arith.select %eq3A_398, %div3A_262, %select_n3A_402 : vector<16xi1>, vector<16xf32>
      %swap3A_404 = arith.constant 11 : i32
      %swap3A_405 = arith.index_cast %swap3A_404 : i32 to index
      %swap3A_406 = arith.index_cast %mul3A_12 : i32 to index
      %swap3A_407 = tpu.vector_load %arg6[%swap3A_405, %swap3A_406] {strides = array<i32>} : memref<16x256xf32, #tpu.memory_space<vmem>>, vector<16xf32>,
      tpu.vector_store %arg6[%swap3A_405, %swap3A_406], %select_n3A_403 {strides = array<i32>} : memref<16x256xf32, #tpu.memory_space<vmem>>, vector<16xf32>,
      %eq3A_408 = arith.constant 12 : i32
      %eq3A_409 = vector.broadcast %eq3A_408 : i32 to vector<16xi32>
      %eq3A_410 = arith.cmpi eq, %select_n3A_257, %eq3A_409 : vector<16xi32>
      %eq3A_411 = arith.constant 12 : i32
      %eq3A_412 = vector.broadcast %eq3A_411 : i32 to vector<16xi32>
      %eq3A_413 = arith.cmpi eq, %select_n3A_253, %eq3A_412 : vector<16xi32>
      %select_n3A_414 = arith.select %eq3A_413, %div3A_263, %broadcast_in_dim3A_265 : vector<16xi1>, vector<16xf32>
      %select_n3A_415 = arith.select %eq3A_410, %div3A_262, %select_n3A_414 : vector<16xi1>, vector<16xf32>
      %swap3A_416 = arith.constant 12 : i32
      %swap3A_417 = arith.index_cast %swap3A_416 : i32 to index
      %swap3A_418 = arith.index_cast %mul3A_12 : i32 to index
      %swap3A_419 = tpu.vector_load %arg6[%swap3A_417, %swap3A_418] {strides = array<i32>} : memref<16x256xf32, #tpu.memory_space<vmem>>, vector<16xf32>,
      tpu.vector_store %arg6[%swap3A_417, %swap3A_418], %select_n3A_415 {strides = array<i32>} : memref<16x256xf32, #tpu.memory_space<vmem>>, vector<16xf32>,
      %eq3A_420 = arith.constant 13 : i32
      %eq3A_421 = vector.broadcast %eq3A_420 : i32 to vector<16xi32>
      %eq3A_422 = arith.cmpi eq, %select_n3A_257, %eq3A_421 : vector<16xi32>
      %eq3A_423 = arith.constant 13 : i32
      %eq3A_424 = vector.broadcast %eq3A_423 : i32 to vector<16xi32>
      %eq3A_425 = arith.cmpi eq, %select_n3A_253, %eq3A_424 : vector<16xi32>
      %select_n3A_426 = arith.select %eq3A_425, %div3A_263, %broadcast_in_dim3A_265 : vector<16xi1>, vector<16xf32>
      %select_n3A_427 = arith.select %eq3A_422, %div3A_262, %select_n3A_426 : vector<16xi1>, vector<16xf32>
      %swap3A_428 = arith.constant 13 : i32
      %swap3A_429 = arith.index_cast %swap3A_428 : i32 to index
      %swap3A_430 = arith.index_cast %mul3A_12 : i32 to index
      %swap3A_431 = tpu.vector_load %arg6[%swap3A_429, %swap3A_430] {strides = array<i32>} : memref<16x256xf32, #tpu.memory_space<vmem>>, vector<16xf32>,
      tpu.vector_store %arg6[%swap3A_429, %swap3A_430], %select_n3A_427 {strides = array<i32>} : memref<16x256xf32, #tpu.memory_space<vmem>>, vector<16xf32>,
      %eq3A_432 = arith.constant 14 : i32
      %eq3A_433 = vector.broadcast %eq3A_432 : i32 to vector<16xi32>
      %eq3A_434 = arith.cmpi eq, %select_n3A_257, %eq3A_433 : vector<16xi32>
      %eq3A_435 = arith.constant 14 : i32
      %eq3A_436 = vector.broadcast %eq3A_435 : i32 to vector<16xi32>
      %eq3A_437 = arith.cmpi eq, %select_n3A_253, %eq3A_436 : vector<16xi32>
      %select_n3A_438 = arith.select %eq3A_437, %div3A_263, %broadcast_in_dim3A_265 : vector<16xi1>, vector<16xf32>
      %select_n3A_439 = arith.select %eq3A_434, %div3A_262, %select_n3A_438 : vector<16xi1>, vector<16xf32>
      %swap3A_440 = arith.constant 14 : i32
      %swap3A_441 = arith.index_cast %swap3A_440 : i32 to index
      %swap3A_442 = arith.index_cast %mul3A_12 : i32 to index
      %swap3A_443 = tpu.vector_load %arg6[%swap3A_441, %swap3A_442] {strides = array<i32>} : memref<16x256xf32, #tpu.memory_space<vmem>>, vector<16xf32>,
      tpu.vector_store %arg6[%swap3A_441, %swap3A_442], %select_n3A_439 {strides = array<i32>} : memref<16x256xf32, #tpu.memory_space<vmem>>, vector<16xf32>,
      %eq3A_444 = arith.constant 15 : i32
      %eq3A_445 = vector.broadcast %eq3A_444 : i32 to vector<16xi32>
      %eq3A_446 = arith.cmpi eq, %select_n3A_257, %eq3A_445 : vector<16xi32>
      %eq3A_447 = arith.constant 15 : i32
      %eq3A_448 = vector.broadcast %eq3A_447 : i32 to vector<16xi32>
      %eq3A_449 = arith.cmpi eq, %select_n3A_253, %eq3A_448 : vector<16xi32>
      %select_n3A_450 = arith.select %eq3A_449, %div3A_263, %broadcast_in_dim3A_265 : vector<16xi1>, vector<16xf32>
      %select_n3A_451 = arith.select %eq3A_446, %div3A_262, %select_n3A_450 : vector<16xi1>, vector<16xf32>
      %swap3A_452 = arith.constant 15 : i32
      %swap3A_453 = arith.index_cast %swap3A_452 : i32 to index
      %swap3A_454 = arith.index_cast %mul3A_12 : i32 to index
      %swap3A_455 = tpu.vector_load %arg6[%swap3A_453, %swap3A_454] {strides = array<i32>} : memref<16x256xf32, #tpu.memory_space<vmem>>, vector<16xf32>,
      tpu.vector_store %arg6[%swap3A_453, %swap3A_454], %select_n3A_451 {strides = array<i32>} : memref<16x256xf32, #tpu.memory_space<vmem>>, vector<16xf32>,
      %swap3A_456 = arith.constant 0 : i32
      %swap3A_457 = arith.index_cast %swap3A_456 : i32 to index
      %swap3A_458 = arith.index_cast %mul3A_12 : i32 to index
      %swap3A_459 = tpu.vector_load %arg7[%swap3A_457, %swap3A_458] {strides = array<i32>} : memref<2x256xi32, #tpu.memory_space<vmem>>, vector<16xi32>,
      tpu.vector_store %arg7[%swap3A_457, %swap3A_458], %select_n3A_257 {strides = array<i32>} : memref<2x256xi32, #tpu.memory_space<vmem>>, vector<16xi32>,
      %swap3A_460 = arith.constant 1 : i32
      %swap3A_461 = arith.index_cast %swap3A_460 : i32 to index
      %swap3A_462 = arith.index_cast %mul3A_12 : i32 to index
      %swap3A_463 = tpu.vector_load %arg7[%swap3A_461, %swap3A_462] {strides = array<i32>} : memref<2x256xi32, #tpu.memory_space<vmem>>, vector<16xi32>,
      tpu.vector_store %arg7[%swap3A_461, %swap3A_462], %select_n3A_253 {strides = array<i32>} : memref<2x256xi32, #tpu.memory_space<vmem>>, vector<16xi32>,
      %scan3A_464 = arith.constant 0 : i32
      scf.yield %scan3A_464 : i32
    }
    %scan3A_8 = arith.constant 16 : i32
    "tpu.region"() ({
      %run_scoped3A = tpu.sem_alloc : memref<!tpu.dma_semaphore, #tpu.memory_space<semaphore_mem>>
      %dma_start3A = arith.constant 0 : i32
      %dma_start3A_9 = tpu.memref_slice %arg3[%dma_start3A, %mul3A_2] : memref<16x8192xf32, #tpu.memory_space<hbm>> -> memref<16x256xf32, #tpu.memory_space<hbm>>
      %dma_start3A_10 = arith.constant 0 : i32
      %dma_start3A_11 = tpu.memref_slice %arg3[%dma_start3A_10, %mul3A_2] : memref<16x8192xf32, #tpu.memory_space<hbm>> -> memref<16x256xf32, #tpu.memory_space<hbm>>
      tpu.enqueue_dma source(%arg6 : memref<16x256xf32, #tpu.memory_space<vmem>>) target(%dma_start3A_11 : memref<16x256xf32, #tpu.memory_space<hbm>>) target_semaphore(%run_scoped3A : memref<!tpu.dma_semaphore, #tpu.memory_space<semaphore_mem>>)
      %dma_wait3A = arith.constant 0 : i32
      %dma_wait3A_12 = tpu.memref_slice %arg3[%dma_wait3A, %mul3A_2] : memref<16x8192xf32, #tpu.memory_space<hbm>> -> memref<16x256xf32, #tpu.memory_space<hbm>>
      %dma_wait3A_13 = arith.constant 0 : i32
      %dma_wait3A_14 = tpu.memref_slice %arg3[%dma_wait3A_13, %mul3A_2] : memref<16x8192xf32, #tpu.memory_space<hbm>> -> memref<16x256xf32, #tpu.memory_space<hbm>>
      tpu.wait_dma2 semaphore(%run_scoped3A : memref<!tpu.dma_semaphore, #tpu.memory_space<semaphore_mem>>) src(%arg6 : memref<16x256xf32, #tpu.memory_space<vmem>>) dst(%dma_wait3A_14 : memref<16x256xf32, #tpu.memory_space<hbm>>)
      tpu.yield
    }) : () -> ()
    "tpu.region"() ({
      %run_scoped3A = tpu.sem_alloc : memref<!tpu.dma_semaphore, #tpu.memory_space<semaphore_mem>>
      %dma_start3A = arith.constant 0 : i32
      %dma_start3A_9 = tpu.memref_slice %arg4[%dma_start3A, %mul3A_2] : memref<2x8192xi32, #tpu.memory_space<hbm>> -> memref<2x256xi32, #tpu.memory_space<hbm>>
      %dma_start3A_10 = arith.constant 0 : i32
      %dma_start3A_11 = tpu.memref_slice %arg4[%dma_start3A_10, %mul3A_2] : memref<2x8192xi32, #tpu.memory_space<hbm>> -> memref<2x256xi32, #tpu.memory_space<hbm>>
      tpu.enqueue_dma source(%arg7 : memref<2x256xi32, #tpu.memory_space<vmem>>) target(%dma_start3A_11 : memref<2x256xi32, #tpu.memory_space<hbm>>) target_semaphore(%run_scoped3A : memref<!tpu.dma_semaphore, #tpu.memory_space<semaphore_mem>>)
      %dma_wait3A = arith.constant 0 : i32
      %dma_wait3A_12 = tpu.memref_slice %arg4[%dma_wait3A, %mul3A_2] : memref<2x8192xi32, #tpu.memory_space<hbm>> -> memref<2x256xi32, #tpu.memory_space<hbm>>
      %dma_wait3A_13 = arith.constant 0 : i32
      %dma_wait3A_14 = tpu.memref_slice %arg4[%dma_wait3A_13, %mul3A_2] : memref<2x8192xi32, #tpu.memory_space<hbm>> -> memref<2x256xi32, #tpu.memory_space<hbm>>
      tpu.wait_dma2 semaphore(%run_scoped3A : memref<!tpu.dma_semaphore, #tpu.memory_space<semaphore_mem>>) src(%arg7 : memref<2x256xi32, #tpu.memory_space<vmem>>) dst(%dma_wait3A_14 : memref<2x256xi32, #tpu.memory_space<hbm>>)
      tpu.yield
    }) : () -> ()
    return
  }
}

module attributes {stable_mosaic.version = 14 : i64} {
  func.func @_mlp_body(%arg0: i32, %arg1: memref<2048x768xf32, #tpu.memory_space<vmem>>, %arg2: memref<768x256xf32, #tpu.memory_space<vmem>>, %arg3: memref<1x256xf32, #tpu.memory_space<vmem>>, %arg4: memref<256x128xf32, #tpu.memory_space<vmem>>, %arg5: memref<1x128xf32, #tpu.memory_space<vmem>>, %arg6: memref<16x128xf32, #tpu.memory_space<vmem>>, %arg7: memref<1x16xf32, #tpu.memory_space<vmem>>, %arg8: memref<16x2048xf32, #tpu.memory_space<vmem>>) attributes {dimension_semantics = [#tpu.dimension_semantics<arbitrary>], iteration_bounds = array<i64: 4>, scalar_prefetch = 0 : i64, scratch_operands = 0 : i64, tpu.core_type = #tpu.core_type<tc>, window_params = [{transform_indices = @transform_0, window_bounds = array<i64: 2048, 768>}, {pipeline_mode = #tpu.pipeline_mode<synchronous>, transform_indices = @transform_1, window_bounds = array<i64: 768, 256>}, {pipeline_mode = #tpu.pipeline_mode<synchronous>, transform_indices = @transform_2, window_bounds = array<i64: 1, 256>}, {pipeline_mode = #tpu.pipeline_mode<synchronous>, transform_indices = @transform_3, window_bounds = array<i64: 256, 128>}, {pipeline_mode = #tpu.pipeline_mode<synchronous>, transform_indices = @transform_4, window_bounds = array<i64: 1, 128>}, {pipeline_mode = #tpu.pipeline_mode<synchronous>, transform_indices = @transform_5, window_bounds = array<i64: 16, 128>}, {pipeline_mode = #tpu.pipeline_mode<synchronous>, transform_indices = @transform_6, window_bounds = array<i64: 1, 16>}, {transform_indices = @transform_7, window_bounds = array<i64: 16, 2048>}]} {
    %get3A = arith.constant 0 : index
    %get3A_0 = arith.constant 0 : index
    %get3A_1 = vector.load %arg1[%get3A, %get3A_0] : memref<2048x768xf32, #tpu.memory_space<vmem>>, vector<2048x768xf32>
    %get3A_2 = arith.constant 0 : index
    %get3A_3 = arith.constant 0 : index
    %get3A_4 = vector.load %arg2[%get3A_2, %get3A_3] : memref<768x256xf32, #tpu.memory_space<vmem>>, vector<768x256xf32>
    %dot_general3A = arith.constant dense<0.000000e+00> : vector<2048x256xf32>
    %dot_general3A_5 = tpu.matmul %get3A_1, %get3A_4, %dot_general3A {dimension_numbers = #tpu.dot_dimension_numbers<[1], [0], [0], [1], [0, 0, 1, 1], [], []>, transpose_lhs_hint = false} : vector<2048x768xf32>, vector<768x256xf32>, vector<2048x256xf32> -> vector<2048x256xf32>
    %get3A_6 = arith.constant 0 : index
    %get3A_7 = arith.constant 0 : index
    %get3A_8 = vector.load %arg3[%get3A_6, %get3A_7] : memref<1x256xf32, #tpu.memory_space<vmem>>, vector<1x256xf32>
    %add3A = vector.broadcast %get3A_8 : vector<1x256xf32> to vector<2048x256xf32>
    %add3A_9 = arith.addf %dot_general3A_5, %add3A : vector<2048x256xf32>
    %max3A = arith.constant 0.000000e+00 : f32
    %max3A_10 = vector.broadcast %max3A : f32 to vector<2048x256xf32>
    %max3A_11 = arith.maximumf %add3A_9, %max3A_10 : vector<2048x256xf32>
    %get3A_12 = arith.constant 0 : index
    %get3A_13 = arith.constant 0 : index
    %get3A_14 = vector.load %arg4[%get3A_12, %get3A_13] : memref<256x128xf32, #tpu.memory_space<vmem>>, vector<256x128xf32>
    %dot_general3A_15 = arith.constant dense<0.000000e+00> : vector<2048x128xf32>
    %dot_general3A_16 = tpu.matmul %max3A_11, %get3A_14, %dot_general3A_15 {dimension_numbers = #tpu.dot_dimension_numbers<[1], [0], [0], [1], [0, 0, 1, 1], [], []>, transpose_lhs_hint = false} : vector<2048x256xf32>, vector<256x128xf32>, vector<2048x128xf32> -> vector<2048x128xf32>
    %get3A_17 = arith.constant 0 : index
    %get3A_18 = arith.constant 0 : index
    %get3A_19 = vector.load %arg5[%get3A_17, %get3A_18] : memref<1x128xf32, #tpu.memory_space<vmem>>, vector<1x128xf32>
    %add3A_20 = vector.broadcast %get3A_19 : vector<1x128xf32> to vector<2048x128xf32>
    %add3A_21 = arith.addf %dot_general3A_16, %add3A_20 : vector<2048x128xf32>
    %max3A_22 = arith.constant 0.000000e+00 : f32
    %max3A_23 = vector.broadcast %max3A_22 : f32 to vector<2048x128xf32>
    %max3A_24 = arith.maximumf %add3A_21, %max3A_23 : vector<2048x128xf32>
    %get3A_25 = arith.constant 0 : index
    %get3A_26 = arith.constant 0 : index
    %get3A_27 = vector.load %arg6[%get3A_25, %get3A_26] : memref<16x128xf32, #tpu.memory_space<vmem>>, vector<16x128xf32>
    %dot_general3A_28 = arith.constant dense<0.000000e+00> : vector<16x2048xf32>
    %dot_general3A_29 = tpu.matmul %get3A_27, %max3A_24, %dot_general3A_28 {dimension_numbers = #tpu.dot_dimension_numbers<[1], [1], [0], [0], [0, 0, 1, 0], [], []>, transpose_lhs_hint = false} : vector<16x128xf32>, vector<2048x128xf32>, vector<16x2048xf32> -> vector<16x2048xf32>
    %get3A_30 = arith.constant 0 : index
    %get3A_31 = arith.constant 0 : index
    %get3A_32 = vector.load %arg7[%get3A_30, %get3A_31] : memref<1x16xf32, #tpu.memory_space<vmem>>, vector<1x16xf32>
    %transpose3A = tpu.transpose %get3A_32, [1, 0] : vector<1x16xf32> -> vector<16x1xf32>
    %add3A_33 = vector.broadcast %transpose3A : vector<16x1xf32> to vector<16x2048xf32>
    %add3A_34 = arith.addf %dot_general3A_29, %add3A_33 : vector<16x2048xf32>
    %swap3A = arith.constant 0 : index
    %swap3A_35 = arith.constant 0 : index
    %swap3A_36 = vector.load %arg8[%swap3A, %swap3A_35] : memref<16x2048xf32, #tpu.memory_space<vmem>>, vector<16x2048xf32>
    tpu.vector_store %arg8[%swap3A, %swap3A_35], %add3A_34 {strides = array<i32>} : memref<16x2048xf32, #tpu.memory_space<vmem>>, vector<16x2048xf32>,
    return
  }
  func.func @transform_0(%arg0: i32) -> (i32, i32) {
    %c0_i32 = arith.constant 0 : i32
    %c0_i32_0 = arith.constant 0 : i32
    return %arg0, %c0_i32 : i32, i32
  }
  func.func @transform_1(%arg0: i32) -> (i32, i32) {
    %c0_i32 = arith.constant 0 : i32
    %c0_i32_0 = arith.constant 0 : i32
    %c0_i32_1 = arith.constant 0 : i32
    return %c0_i32, %c0_i32_0 : i32, i32
  }
  func.func @transform_2(%arg0: i32) -> (i32, i32) {
    %c0_i32 = arith.constant 0 : i32
    %c0_i32_0 = arith.constant 0 : i32
    %c0_i32_1 = arith.constant 0 : i32
    return %c0_i32, %c0_i32_0 : i32, i32
  }
  func.func @transform_3(%arg0: i32) -> (i32, i32) {
    %c0_i32 = arith.constant 0 : i32
    %c0_i32_0 = arith.constant 0 : i32
    %c0_i32_1 = arith.constant 0 : i32
    return %c0_i32, %c0_i32_0 : i32, i32
  }
  func.func @transform_4(%arg0: i32) -> (i32, i32) {
    %c0_i32 = arith.constant 0 : i32
    %c0_i32_0 = arith.constant 0 : i32
    %c0_i32_1 = arith.constant 0 : i32
    return %c0_i32, %c0_i32_0 : i32, i32
  }
  func.func @transform_5(%arg0: i32) -> (i32, i32) {
    %c0_i32 = arith.constant 0 : i32
    %c0_i32_0 = arith.constant 0 : i32
    %c0_i32_1 = arith.constant 0 : i32
    return %c0_i32, %c0_i32_0 : i32, i32
  }
  func.func @transform_6(%arg0: i32) -> (i32, i32) {
    %c0_i32 = arith.constant 0 : i32
    %c0_i32_0 = arith.constant 0 : i32
    %c0_i32_1 = arith.constant 0 : i32
    return %c0_i32, %c0_i32_0 : i32, i32
  }
  func.func @transform_7(%arg0: i32) -> (i32, i32) {
    %c0_i32 = arith.constant 0 : i32
    %c0_i32_0 = arith.constant 0 : i32
    return %c0_i32, %arg0 : i32, i32
  }
}

</mosaic_0001>

<sc_bundles>
// kernel: kernel.4.cloned.1.call-start
scs
__scs_entry_jumppad:
0x0: {  	(pc) =	sbr.rel $0x88, $3  }
0x1: {  	(tag) =	ssettag $0x0;
	lr =	simm.s32 $0x1  }
0x2: {  	[smem:$0x3F9A] =	sst lr;
	_ =	strace $0xD0000000  }
0x3: {  	_ = 	snop  }
0x4: {  	_ = 	snop  }
0x5: {  	_ = 	snop  }
0x6: {  	_ = 	snop  }
0x7: {  	_ = 	snop  }
__scs_overlays_trampoline_lowered:
0x8: {  	[smem:$0x3FA9] =	sst s0  }
0x9: {  	[smem:$0x3FAA] =	sst s1  }
0xa: {  	[smem:$0x3FAB] =	sst s2  }
0xb: {  	[smem:$0x3FAC] =	sst s3  }
0xc: {  	[smem:$0x3FAD] =	sst s4  }
0xd: {  	[smem:$0x3FAE] =	sst s5  }
0xe: {  	[smem:$0x3FAF] =	sst s6  }
0xf: {  	[smem:$0x3FB0] =	sst s7  }
0x10: {  	[smem:$0x3FB1] =	sst s8  }
0x11: {  	[smem:$0x3FB2] =	sst s9;
	s0 =	simm.s32 @!p0 $0x0  }
0x12: {  	s1 =	sld [smem:$0x3F98];
	s0 =	simm.s32 @p0 $0x1  }
0x13: {  	[smem:$0x3FB3] =	sst s0;
	s0 =	simm.s32 @!p1 $0x0  }
0x14: {  	s2 =	sld [smem:$0x3F97];
	s0 =	simm.s32 @p1 $0x1  }
0x15: {  	[smem:$0x3FB4] =	sst s0;
	s0 =	simm.s32 @!p2 $0x0  }
0x16: {  	s3 =	sld [smem:$0x3FDB];
	s0 =	simm.s32 @p2 $0x1  }
0x17: {  	s4 =	simm.s32 $0x1BF5;
	[smem:$0x3FB6] =	sst s0  }
0x18: {  	s0 =	sld [smem:$0x3F99];
	_ =	swait.ge [sflag:s4], $0x0  }
0x19: {  	s7 =	sld [smem:$0x3F9A]  }
0x1a: {  	s8 =	sadd.s32 $0xFFFFE003, lr  }
0x1b: {  	s9 =	sadd.s32 $0xFFFFFEF7, lr;
	s5 =	simm.s32 $0xFFFFFFFF;
	p2 =	slt.u32 s8, $0xFFFFF086  }
0x1c: {  	p1 =	slt.u32 s9, $0xF7A;
	s5 =	simm.s32 @!p2 $0x0  }
0x1d: {  	s5 =	simm.s32 @p1 $0x1;
	p0 =	seq.s32 s7, s2  }
0x1e: {  	s7 =	smul.u32 @!p0 $0xF7A, s2;
	p2 =	seq.s32 @!p0 s5, $0x0  }
0x1f: {  	s9 =	smul.u32 $0xF7A, s1;
	s8 =	simm.s32 @!p0 $0x1BF5;
	p2 =	por !p2, p0  }
0x20: {  	[sflag:s8] =	ssyncset.s32 @!p0 $0xFFFFF086;
	s6 =	sadd.s32 @!p0 s3, s7;
	s7 =	simm.s32 @!p0 $0x108  }
0x21: {  	s3 =	sadd.s32 s3, s9;
	s6 =	sadd.s32 @!p0 $0x88, s6;
	s7 =	simm.s32 @p2 $0x1082  }
0x22: {  	[simem:s7], [sflag:s8] =	dma.local @!p0 [hbm:s6], $0xF7A  }
0x23: {  	s9 =	sor.u32 $0xD0000000, s2;
	s6 =	simm.s32 $0x108;
	_ =	swait.ge @!p0 [sflag:s8], $0x0  }
0x24: {  	s3 =	sadd.s32 $0x88, s3;
	s6 =	simm.s32 @!p1 $0x1082;
	[sflag:s4] =	ssyncset.s32 $0xFFFFF086  }
0x25: {  	[simem:s6], [sflag:s4] =	dma.local [hbm:s3], $0xF7A  }
0x26: {  	[smem:$0x3F9A] =	sst s1;
	(tag) =	ssettag s2;
	_ =	strace s9  }
0x27: {  	s1 =	sld [smem:$0x3FAA]  }
0x28: {  	s2 =	sld [smem:$0x3FAB]  }
0x29: {  	s4 =	sld [smem:$0x3FAD]  }
0x2a: {  	p0 =	seq.s32 s5, $0x0;
	s5 =	sld [smem:$0x3FAE]  }
0x2b: {  	s6 =	sld [smem:$0x3FAF]  }
0x2c: {  	s7 =	sld [smem:$0x3FB0]  }
0x2d: {  	s3 =	simm.s32 $0x108;
	s8 =	sld [smem:$0x3FB1]  }
0x2e: {  	s3 =	simm.s32 @!p0 $0x1082;
	s9 =	sld [smem:$0x3FB2]  }
0x2f: {  	lr =	sadd.s32 s0, s3;
	s0 =	sld [smem:$0x3FA9]  }
0x30: {  	s3 =	sld [smem:$0x3FAC]  }
0x31: {  	[smem:$0x3FB5] =	sst s10  }
0x32: {  	s10 =	sld [smem:$0x3FB3];
	_ =	sdelay $0x3  }
0x33: {  	p0 =	seq.s32 s10, $0x1;
	s10 =	sld [smem:$0x3FB5];
	_ =	sdelay $0x3  }
0x34: {  	[smem:$0x3FB5] =	sst s10  }
0x35: {  	s10 =	sld [smem:$0x3FB4];
	_ =	sdelay $0x3  }
0x36: {  	p1 =	seq.s32 s10, $0x1;
	s10 =	sld [smem:$0x3FB5];
	_ =	sdelay $0x3  }
0x37: {  	[smem:$0x3FB5] =	sst s10  }
0x38: {  	s10 =	sld [smem:$0x3FB6]  }
0x39: {  	_ = 	snop;
	(pc) =	sbr.ind lr, $3  }
0x3a: {  	_ = 	snop  }
0x3b: {  	_ = 	snop  }
0x3c: {  	p2 =	seq.s32 s10, $0x1;
	s10 =	sld [smem:$0x3FB5]  }
0x3d: {  	_ =	shalt  }
0x3e: {  	_ =	shalt  }
0x3f: {  	_ =	shalt  }
0x40: {  	_ =	shalt  }
0x41: {  	_ =	shalt  }
0x42: {  	_ =	shalt  }
0x43: {  	_ =	shalt  }
0x44: {  	_ =	shalt  }
0x45: {  	_ =	shalt  }
0x46: {  	_ =	shalt  }
0x47: {  	_ =	shalt  }
0x48: {  	_ =	shalt  }
0x49: {  	_ =	shalt  }
0x4a: {  	_ =	shalt  }
0x4b: {  	_ =	shalt  }
0x4c: {  	_ =	shalt  }
0x4d: {  	_ =	shalt  }
0x4e: {  	_ =	shalt  }
0x4f: {  	_ =	shalt  }
0x50: {  	_ =	shalt  }
0x51: {  	_ =	shalt  }
0x52: {  	_ =	shalt  }
0x53: {  	_ =	shalt  }
0x54: {  	_ =	shalt  }
0x55: {  	_ =	shalt  }
0x56: {  	_ =	shalt  }
0x57: {  	_ =	shalt  }
0x58: {  	_ =	shalt  }
0x59: {  	_ =	shalt  }
0x5a: {  	_ =	shalt  }
0x5b: {  	_ =	shalt  }
0x5c: {  	_ =	shalt  }
0x5d: {  	_ =	shalt  }
0x5e: {  	_ =	shalt  }
0x5f: {  	_ =	shalt  }
0x60: {  	_ =	shalt  }
0x61: {  	_ =	shalt  }
0x62: {  	_ =	shalt  }
0x63: {  	_ =	shalt  }
0x64: {  	_ =	shalt  }
0x65: {  	_ =	shalt  }
0x66: {  	_ =	shalt  }
0x67: {  	_ =	shalt  }
0x68: {  	_ =	shalt  }
0x69: {  	_ =	shalt  }
0x6a: {  	_ =	shalt  }
0x6b: {  	_ =	shalt  }
0x6c: {  	_ =	shalt  }
0x6d: {  	_ =	shalt  }
0x6e: {  	_ =	shalt  }
0x6f: {  	_ =	shalt  }
0x70: {  	_ =	shalt  }
0x71: {  	_ =	shalt  }
0x72: {  	_ =	shalt  }
0x73: {  	_ =	shalt  }
0x74: {  	_ =	shalt  }
0x75: {  	_ =	shalt  }
0x76: {  	_ =	shalt  }
0x77: {  	_ =	shalt  }
0x78: {  	_ =	shalt  }
0x79: {  	_ =	shalt  }
0x7a: {  	_ =	shalt  }
0x7b: {  	_ =	shalt  }
0x7c: {  	_ =	shalt  }
0x7d: {  	_ =	shalt  }
0x7e: {  	_ =	shalt  }
0x7f: {  	_ =	shalt  }
0x80: {  	_ =	shalt  }
0x81: {  	_ =	shalt  }
0x82: {  	_ =	shalt  }
0x83: {  	_ =	shalt  }
0x84: {  	_ =	shalt  }
0x85: {  	_ =	shalt  }
0x86: {  	_ =	shalt  }
0x87: {  	_ =	shalt  }
.Lfunc_end0:
.L_simem_size_0:
called_computation_lowered:
.L_overlay_start_0:
0x88: {  	s2 =	sld [smem:$0x3FD9]  }
0x89: {  	s3 =	sld [smem:$0x3FFE];
	_ =	sdelay $0x1  }
0x8a: {  	s1 =	srdreg.scid  }
0x8b: {  	s0 =	sand.u32 $0x1, s1  }
0x8c: {  	s14 =	sshll.u32 s0, $0xA;
	s2 =	sadd.s32 s3, s2  }
0x8d: {  	s2 =	sadd.s32 s2, s14  }
0x8e: {  	[smem:$0x3FC1] =	sst s2  }
0x8f: {  	_ = 	snop  }
0x90: {  	s2 =	sld [smem:$0x3FD0];
	_ =	sdelay $0x2  }
0x91: {  	s15 =	simm.s32 $0xA;
	s4 =	simm.s32 $0x10  }
0x92: {  	[smem:s4], [sflag:s15] =	dma.local [hbm:s2], $0x1  }
0x93: {  	_ =	swait.eq [sflag:s15], $0x1  }
0x94: {  	[sflag:s15] =	ssyncset.done $0x0  }
0x95: {  	s16 =	sld [smem:$0x10];
	[sflag:s15] =	ssyncadd.s32 $0xFFFFFFFF  }
0x96: {  	s17 =	sld [smem:$0x11];
	(tm) =	ssettm $0x1  }
0x97: {  	s18 =	sld [smem:$0x3FFB];
	_ =	sdelay $0x3  }
0x98: {  	_ =	strace s18  }
0x99: {  	s4 =	sld [smem:$0x3FFC];
	_ =	sdelay $0x3  }
0x9a: {  	_ =	strace s4  }
0x9b: {  	s4 =	sld [smem:$0x3FFD];
	_ =	sdelay $0x3  }
0x9c: {  	_ =	strace s4  }
0x9d: {  	_ =	strace $0x8FFFFFFF  }
0x9e: {  	s19 =	sld [smem:$0x3FDB];
	_ =	sdelay $0x1  }
0x9f: {  	s5 =	simm.s32 $_scs_section_size  }
0xa0: {  	s6 =	simm.s32 $_size__tile_overlayer_lowered;
	s7 =	simm.s32 $_tile_overlayer_lowered  }
0xa1: {  	s22 =	simm.s32 $0x1BFF;
	s21 =	sshll.u32 s7, $0x1;
	s4 =	sadd.s32 s5, s19  }
0xa2: {  	s8 =	simm.s32 $0x0;
	s20 =	sshll.u32 s6, $0x1;
	s6 =	sadd.s32 s21, s4  }
0xa3: {  	[timem:s8], [sflag:s22] =	dma.local [hbm:s6], s20  }
0xa4: {  	_ =	swait.ge [sflag:s22], s20  }
0xa5: {  	s5 =	ssub.s32 $0x0, s20;
	[sflag:s22] =	ssyncset.done $0x0  }
0xa6: {  	[sflag:s22] =	ssyncadd.s32 s5;
	_ =	sdelay $0x1  }
0xa7: {  	s23 =	simm.s32 $0x1B8B  }
0xa8: {  	_ =	swait.ge [sflag:s23], $0x1  }
0xa9: {  	[sflag:s23] =	ssyncset.done $0x0  }
0xaa: {  	s25 =	simm.s32 $0x1B8E;
	s24 =	sld [smem:$0x3FFE];
	[sflag:s23] =	ssyncadd.s32 $0xFFFFFFFF  }
0xab: {  	s26 =	simm.s32 $execute0_lowered;
	[smem:$0x3FD2] =	sst s25  }
0xac: {  	s6 =	sshll.u32 s26, $0x1;
	_ =	strace $0x80000046;
	[dreg:$0x1] =	wrdreg $0xFFFFFFFF  }
0xad: {  	s28 =	simm.s32 $_size_execute0_lowered;
	s4 =	sadd.s32 s4, s6;
	[dreg:$0x0] =	wrdreg $0x0  }
0xae: {  	s6 =	sshll.u32 s28, $0x1;
	[dreg:$0x2] =	wrdreg s4  }
0xaf: {  	[dreg:$0x3] =	wrdreg s6  }
0xb0: {  	[dreg:$0x4] =	wrdreg $0xC0  }
0xb1: {  	_ =	task [dreg:s8], $0x5FFFF  }
0xb2: {  	[dreg:$0x1] =	wrdreg $0xFFFFFFFF  }
0xb3: {  	[dreg:$0x0] =	wrdreg $0x60  }
0xb4: {  	[dreg:$0x2] =	wrdreg s24  }
0xb5: {  	[dreg:$0x3] =	wrdreg s16  }
0xb6: {  	[dreg:$0x4] =	wrdreg s17  }
0xb7: {  	[dreg:$0x5] =	wrdreg $0x9  }
0xb8: {  	_ =	task.clear_ibuf [dreg:s8], $0x6FFFF;
	_ =	strace $0x90000046  }
0xb9: {  	s29 =	simm.s32 $0x9;
	_ =	strace $0x80000048  }
0xba: {  	_ =	swait.ge [sflag:s29], $0x1  }
0xbb: {  	[sflag:s29] =	ssyncadd.s32 $0xFFFFFFFF  }
0xbc: {  	_ =	strace $0x90000048  }
0xbd: {  	_ =	sfence  }
0xbe: {  	s30 =	sld [smem:$0x0];
	_ =	sdelay $0x2  }
0xbf: {  	s31 =	sshll.u32 s1, $0xD;
	s1 =	sshrl.u32 s1, $0x2  }
0xc0: {  	s3 =	sand.u32 $0x4000, s31;
	s1 =	sadd.s32 s1, s30  }
0xc1: {  	s0 =	sor.u32 s3, s0;
	s1 =	sshll.u32 s1, $0x11  }
0xc2: {  	s0 =	sor.u32 s1, s0  }
0xc3: {  	s0 =	sadd.s32 $0x8F2B, s0  }
0xc4: {  	[sflag:s0] =	ssyncadd.remote.s32 $0x1  }
0xc5: {  	_ =	sfence.sel $0xFFFF  }
0xc6: {  	[dreg:$0x0] =	wrdreg $0xFFFFFFFF;
	(pc) =	sbr.abs _section_cstart, $3  }
0xc7: {  	[dreg:$0x1] =	wrdreg $0xFFFFFFFF  }
0xc8: {  	_ =	task.clear_ibuf [dreg:s8], $0x2FFFF;
	_ =	strace $0x9FFFFFFF  }
0xc9: {  	(tm) =	ssettm $0x7FFFFFFF  }
tec
execute0_lowered:
.L_overlay_start_1:
0x0: {  	(tag) =	ssettag $0x1  }
0x1: {  	s3 =	rddreg [dreg:$0x0]  }
0x2: {  	s4 =	rddreg [dreg:$0x1]  }
0x3: {  	s5 =	rddreg [dreg:$0x2];
	s2 =	srdreg.scid  }
0x4: {  	s0 =	rddreg [dreg:$0x3];
	s1 =	stileid.u32;
	s9 =	simm.s32 $0x1  }
0x5: {  	s10 =	simm.s32 $0x1000;
	s11 =	simm.s32 $0x2000;
	s12 =	simm.s32 $0x0  }
0x6: {  	s6 =	sand.u32 $0x1, s2;
	s2 =	simm.s32 $0x0;
	s7 =	sshll.u32 s1, $0x9  }
0x7: {  	s8 =	sshll.u32 s6, $0x8;
	[smem:$0x7FF] =	sst s2;
	s6 =	ssub.s32 $0x2, s6  }
0x8: {  	s7 =	sor.u32 s8, s7;
	_ =	strace $0x80000047;
	s30 =	sshrl.u32 s6, $0x1  }
0x9: {  	s8 =	simm.s32 $0x10000;
	s3 =	sadd.s32 s7, s3;
	s6 =	ssub.s32 s6, s30  }
0xa: {  	s31 =	sshrl.u32 s7, $0x2;
	s4 =	sadd.s32 s4, s7;
	s7 =	simm.s32 $0x800  }
0xb: {  	v0 =	vimm.s32 $0x0;
	s3 =	sadd.s32 $0x1600, s3;
	s5 =	sadd.s32 s5, s31;
	s6 =	smax.u32 s6, $0x1  }
.LBB2_1:
0xc: {  	[tilespmem:s2], [sflag:$0x1] =	stream.strided.gather [hbm4b:s3+s7], $0x1000, s8, s7, $0x38;
	[tilespmem:$0x2200] =	vst v63  }
0xd: {  	s13 =	sand.u32 $0xFFFFFC00, s2;
	_ =	swait.ge [sflag:s9], $0x1000  }
0xe: {  	s15 =	sand.u32 $0x70, s2;
	s23 =	sadd.s32 $0x0, s13;
	[sflag:s9] =	ssyncset.done $0x0  }
0xf: {  	s16 =	sand.u32 $0x7FFFFC00, s2;
	s13 =	sor.u32 $0x80, s23;
	[sflag:s9] =	ssyncadd.s32 $0xFFFFF000  }
0x10: {  	s17 =	sor.u32 s15, s16;
	v1 =	vld [tilespmem:s13+$0x0]  }
0x11: {  	v2 =	vld [tilespmem:s17+$0x0];
	_ =	sdelay $0x2  }
0x12: {  	v3 =	vld [tilespmem:s17+$0x100]  }
0x13: {  	vm0 =	vlt.f32 v1, $-Inf;
	vm1 =	vgt.f32 v1, $-Inf  }
0x14: {  	vm13 =	vgt.f32 v1, v2;
	vm0 =	vmor vm1, vm0  }
0x15: {  	s14 =	sor.u32 $0x180, s23;
	vm15 =	vmneg vm13;
	v4 =	vnsel vm0, $0xFF800000, v1  }
0x16: {  	v5 =	vld [tilespmem:s14+$0x0];
	v4 =	vsel vm15, v4, v2  }
0x17: {  	v1 =	vsel vm15, v2, v1;
	v2 =	vimm.s32 $0x0;
	vm7 =	vgt.f32 v3, v4  }
0x18: {  	v2 =	vsel vm7, $0xFFFFFFFF, v2  }
0x19: {  	vm11 =	vgt.f32 v3, v1;
	[tilespmem:$0x1FF30] =	vst v2;
	v2 =	vsel vm7, v3, v4  }
0x1a: {  	v23 =	vld [tilespmem:s17+$0x200];
	v2 =	vsel vm11, v1, v2  }
0x1b: {  	v1 =	vsel vm11, v3, v1;
	v3 =	vimm.s32 $0x0;
	vm12 =	vgt.f32 v5, v2  }
0x1c: {  	s18 =	sor.u32 $0x280, s23;
	v3 =	vsel vm12, $0xFFFFFFFF, v3  }
0x1d: {  	vm9 =	vgt.f32 v5, v1;
	v2 =	vsel vm12, v5, v2;
	[tilespmem:$0x1FF40] =	vst v3;
	v3 =	vld [tilespmem:s18+$0x0]  }
0x1e: {  	v2 =	vsel vm9, v1, v2  }
0x1f: {  	v1 =	vsel vm9, v5, v1;
	vm14 =	vgt.f32 v23, v2  }
0x20: {  	v25 =	vld [tilespmem:s17+$0x300];
	vm8 =	vgt.f32 v23, v1;
	v2 =	vsel vm14, v23, v2  }
0x21: {  	v2 =	vsel vm8, v1, v2  }
0x22: {  	v1 =	vsel vm8, v23, v1;
	vm4 =	vgt.f32 v3, v2  }
0x23: {  	s19 =	sor.u32 $0x380, s23;
	vm10 =	vgt.f32 v3, v1;
	v2 =	vsel vm4, v3, v2  }
0x24: {  	v27 =	vld [tilespmem:s19+$0x0];
	v2 =	vsel vm10, v1, v2  }
0x25: {  	v1 =	vsel vm10, v3, v1;
	v3 =	vimm.s32 $0x0;
	vm5 =	vgt.f32 v25, v2  }
0x26: {  	s20 =	sor.u32 $0x800, s17;
	v3 =	vsel vm5, $0xFFFFFFFF, v3  }
0x27: {  	vm12 =	vgt.f32 v25, v1;
	v2 =	vsel vm5, v25, v2;
	[tilespmem:$0x1FF70] =	vst v3;
	v3 =	vld [tilespmem:s20+$0x0]  }
0x28: {  	v2 =	vsel vm12, v1, v2  }
0x29: {  	v24 =	vimm.s32 $0x0;
	s29 =	sor.u32 $0x880, s23;
	v1 =	vsel vm12, v25, v1;
	vm6 =	vgt.f32 v27, v2  }
0x2a: {  	v29 =	vld [tilespmem:s29+$0x0];
	v5 =	vsel vm14, $0xFFFFFFFF, v24;
	vm14 =	vgt.f32 v27, v1;
	v2 =	vsel vm6, v27, v2  }
0x2b: {  	v26 =	vimm.s32 $0x0;
	v30 =	vimm.s32 $0x0;
	v2 =	vsel vm14, v1, v2  }
0x2c: {  	v4 =	vsel vm4, $0xFFFFFFFF, v26;
	v1 =	vsel vm14, v27, v1;
	vm7 =	vgt.f32 v3, v2  }
0x2d: {  	s21 =	sor.u32 $0x900, s17;
	[tilespmem:$0x1FF60] =	vst v4;
	v4 =	vsel vm7, $0xFFFFFFFF, v30;
	v2 =	vsel vm7, v3, v2;
	vm7 =	vgt.f32 v3, v1  }
0x2e: {  	v31 =	vld [tilespmem:s21+$0x0];
	v2 =	vsel vm7, v1, v2  }
0x2f: {  	v1 =	vsel vm7, v3, v1;
	v3 =	vimm.s32 $0x0;
	vm4 =	vgt.f32 v29, v2  }
0x30: {  	v28 =	vimm.s32 $0x0;
	s30 =	sor.u32 $0x980, s23;
	[tilespmem:$0x1FF50] =	vst v5;
	v3 =	vsel vm4, $0xFFFFFFFF, v3  }
0x31: {  	v5 =	vsel vm6, $0xFFFFFFFF, v28;
	vm6 =	vgt.f32 v29, v1;
	v2 =	vsel vm4, v29, v2;
	[tilespmem:$0x1FFA0] =	vst v3;
	v3 =	vld [tilespmem:s30+$0x0]  }
0x32: {  	v2 =	vsel vm6, v1, v2  }
0x33: {  	v32 =	vimm.s32 $0x0;
	s22 =	sor.u32 $0xA00, s17;
	v1 =	vsel vm6, v29, v1;
	vm5 =	vgt.f32 v31, v2  }
0x34: {  	v33 =	vld [tilespmem:s22+$0x0];
	[tilespmem:$0x1FF80] =	vst v5;
	v5 =	vsel vm5, $0xFFFFFFFF, v32;
	v2 =	vsel vm5, v31, v2;
	vm5 =	vgt.f32 v31, v1  }
0x35: {  	v2 =	vsel vm5, v1, v2  }
0x36: {  	v34 =	vimm.s32 $0x0;
	v1 =	vsel vm5, v31, v1;
	vm4 =	vgt.f32 v3, v2  }
0x37: {  	s31 =	sor.u32 $0xA80, s23;
	[tilespmem:$0x1FF90] =	vst v4;
	v4 =	vsel vm4, $0xFFFFFFFF, v34;
	v2 =	vsel vm4, v3, v2;
	vm4 =	vgt.f32 v3, v1  }
0x38: {  	v35 =	vld [tilespmem:s31+$0x0];
	v2 =	vsel vm4, v1, v2  }
0x39: {  	v1 =	vsel vm4, v3, v1;
	v3 =	vimm.s32 $0x0;
	vm1 =	vgt.f32 v33, v2  }
0x3a: {  	s24 =	sor.u32 $0xB00, s17;
	v3 =	vsel vm1, $0xFFFFFFFF, v3  }
0x3b: {  	vm3 =	vgt.f32 v33, v1;
	v2 =	vsel vm1, v33, v2;
	[tilespmem:$0x1FFD0] =	vst v3;
	v3 =	vld [tilespmem:s24+$0x0]  }
0x3c: {  	s23 =	sor.u32 $0xB80, s23;
	v2 =	vsel vm3, v1, v2  }
0x3d: {  	v37 =	vld [tilespmem:s23+$0x0];
	v1 =	vsel vm3, v33, v1;
	vm1 =	vgt.f32 v35, v2  }
0x3e: {  	v6 =	vld [tilespmem:$0x1FF30];
	vm2 =	vgt.f32 v35, v1;
	v2 =	vsel vm1, v35, v2  }
0x3f: {  	v36 =	vimm.s32 $0x0;
	v38 =	vimm.s32 $0x0;
	v2 =	vsel vm2, v1, v2  }
0x40: {  	[tilespmem:$0x1FFB0] =	vst v5;
	v5 =	vsel vm1, $0xFFFFFFFF, v36;
	v1 =	vsel vm2, v35, v1;
	vm1 =	vgt.f32 v3, v2  }
0x41: {  	v40 =	vld [tilespmem:$0x1FF40];
	[tilespmem:$0x1FFC0] =	vst v4;
	v4 =	vsel vm1, $0xFFFFFFFF, v38;
	v2 =	vsel vm1, v3, v2;
	vm1 =	vgt.f32 v3, v1  }
0x42: {  	v39 =	vsel vm13, $0x1, v0;
	vm0 =	vmand vm15, vm0;
	v2 =	vsel vm1, v1, v2  }
0x43: {  	vm15 =	vnez.u8 v6;
	v41 =	vld [tilespmem:$0x1FF50];
	v1 =	vsel vm1, v3, v1;
	vm13 =	vgt.f32 v37, v2  }
0x44: {  	v3 =	vsel vm0, $0x1, v0;
	vm0 =	vgt.f32 v37, v1;
	v2 =	vsel vm13, v37, v2  }
0x45: {  	v3 =	vsel vm15, $0x2, v3;
	v2 =	vsel vm0, v1, v2;
	v1 =	vsel vm0, v37, v1  }
0x46: {  	vm15 =	vnez.u8 v40;
	v3 =	vsel vm11, v39, v3;
	v1 =	vsub.f32 v2, v1  }
0x47: {  	v3 =	vsel vm15, $0x3, v3;
	v2 =	vsel vm11, $0x2, v39  }
0x48: {  	vm15 =	vnez.u8 v41;
	v3 =	vsel vm9, v2, v3;
	v1 =	vmul.f32 $1.442695020e+00, v1  }
0x49: {  	v2 =	vsel vm9, $0x3, v2;
	v3 =	vsel vm15, $0x4, v3  }
0x4a: {  	v3 =	vsel vm8, v2, v3;
	(erf) = vpow2.f32 v1;
	v1 =	vsel vm8, $0x4, v2;
	v2 =	vld [tilespmem:$0x1FF60];
	_ =	sdelay $0x4  }
0x4b: {  	vm15 =	vnez.u8 v2  }
0x4c: {  	v2 =	vsel vm15, $0x5, v3;
	v3 =	vld [tilespmem:$0x1FF70];
	_ =	sdelay $0x4  }
0x4d: {  	vm15 =	vnez.u8 v3;
	v3 =	vld [tilespmem:$0x1FF80];
	_ =	sdelay $0x2  }
0x4e: {  	v2 =	vsel vm10, v1, v2  }
0x4f: {  	v1 =	vsel vm10, $0x5, v1;
	v2 =	vsel vm15, $0x6, v2  }
0x50: {  	v2 =	vsel vm12, v1, v2;
	v1 =	vsel vm12, $0x6, v1;
	vm12 =	vnez.u8 v3;
	v3 =	vld [tilespmem:$0x1FF90];
	_ =	sdelay $0x4  }
0x51: {  	vm15 =	vnez.u8 v3;
	v3 =	vld [tilespmem:$0x1FFA0];
	_ =	sdelay $0x1  }
0x52: {  	v43 =	vld [tilespmem:$0x1FFB0];
	v2 =	vsel vm12, $0x7, v2  }
0x53: {  	v2 =	vsel vm14, v1, v2  }
0x54: {  	v44 =	vld [tilespmem:$0x1FFC0];
	v1 =	vsel vm14, $0x7, v1;
	v2 =	vsel vm15, $0x8, v2  }
0x55: {  	v2 =	vsel vm7, v1, v2;
	vm11 =	vnez.u8 v3  }
0x56: {  	v45 =	vld [tilespmem:$0x1FFD0];
	v1 =	vsel vm7, $0x8, v1;
	v3 =	vpop (erf);
	v2 =	vsel vm11, $0x9, v2  }
0x57: {  	[tilespmem:$0x1FFE0] =	vst v5;
	vm12 =	vnez.u8 v43;
	v42 =	vadd.f32 $1.000000000e+00, v3;
	v2 =	vsel vm6, v1, v2  }
0x58: {  	v46 =	vld [tilespmem:$0x1FFE0];
	v1 =	vsel vm6, $0x9, v1;
	v2 =	vsel vm12, $0xA, v2  }
0x59: {  	[tilespmem:$0x1FFF0] =	vst v4;
	vm14 =	vnez.u8 v44;
	(erf) = vrcp.f32 v42;
	v2 =	vsel vm5, v1, v2  }
0x5a: {  	v47 =	vld [tilespmem:$0x1FFF0];
	v1 =	vsel vm5, $0xA, v1;
	v2 =	vsel vm14, $0xB, v2  }
0x5b: {  	vm15 =	vnez.u8 v45;
	v2 =	vsel vm4, v1, v2  }
0x5c: {  	v1 =	vsel vm4, $0xB, v1;
	v2 =	vsel vm15, $0xC, v2  }
0x5d: {  	vm6 =	vnez.u8 v46;
	v2 =	vsel vm3, v1, v2  }
0x5e: {  	v1 =	vsel vm3, $0xC, v1;
	v2 =	vsel vm6, $0xD, v2  }
0x5f: {  	vm7 =	vnez.u8 v47;
	v2 =	vsel vm2, v1, v2  }
0x60: {  	v1 =	vsel vm2, $0xD, v1;
	v2 =	vsel vm7, $0xE, v2  }
0x61: {  	v2 =	vsel vm1, v1, v2  }
0x62: {  	v48 =	vsel vm1, $0xE, v1;
	v49 =	vpop (erf);
	v1 =	vsel vm13, $0xF, v2  }
0x63: {  	v3 =	vmul.f32 v49, v3;
	v2 =	vsel vm0, $0xF, v48;
	v1 =	vsel vm0, v48, v1  }
0x64: {  	vm10 =	veq.s32 v2, $0x0;
	vm12 =	veq.s32 v2, $0x1;
	vm13 =	veq.s32 v2, $0x2  }
0x65: {  	vm4 =	veq.s32 v2, $0x3;
	vm6 =	veq.s32 v2, $0x4;
	vm7 =	veq.s32 v2, $0x5  }
0x66: {  	vm8 =	veq.s32 v1, $0x0;
	vm9 =	veq.s32 v1, $0x1;
	vm11 =	veq.s32 v1, $0x2  }
0x67: {  	vm14 =	veq.s32 v1, $0x3;
	vm15 =	veq.s32 v1, $0x4;
	vm5 =	veq.s32 v1, $0x5  }
0x68: {  	v50 =	vnsel vm8, $0x0, v3;
	v51 =	vnsel vm9, $0x0, v3;
	v7 =	vnsel vm11, $0x0, v3  }
0x69: {  	v8 =	vnsel vm14, $0x0, v3;
	v9 =	vnsel vm15, $0x0, v3;
	v10 =	vnsel vm5, $0x0, v3  }
0x6a: {  	vm8 =	veq.s32 v1, $0x6;
	vm9 =	veq.s32 v1, $0x7;
	v4 =	vsel vm10, v49, v50  }
0x6b: {  	vm11 =	veq.s32 v1, $0x8;
	vm14 =	veq.s32 v1, $0x9;
	v6 =	vsel vm12, v49, v51;
	[tilespmem:s17+$0x1000] =	vst v4  }
0x6c: {  	vm15 =	veq.s32 v1, $0xA;
	vm5 =	veq.s32 v1, $0xB;
	v7 =	vsel vm13, v49, v7;
	[tilespmem:s13+$0x1000] =	vst v6  }
0x6d: {  	v8 =	vsel vm4, v49, v8;
	v9 =	vsel vm6, v49, v9;
	v52 =	vsel vm7, v49, v10;
	[tilespmem:s17+$0x1100] =	vst v7  }
0x6e: {  	v53 =	vnsel vm8, $0x0, v3;
	vm10 =	veq.s32 v2, $0x6;
	v54 =	vnsel vm9, $0x0, v3;
	[tilespmem:s14+$0x1000] =	vst v8  }
0x6f: {  	v55 =	vnsel vm11, $0x0, v3;
	vm12 =	veq.s32 v2, $0x7;
	vm13 =	veq.s32 v2, $0x8;
	[tilespmem:s17+$0x1200] =	vst v9  }
0x70: {  	v57 =	vnsel vm14, $0x0, v3;
	vm4 =	veq.s32 v2, $0x9;
	v6 =	vsel vm10, v49, v53;
	[tilespmem:s18+$0x1000] =	vst v52  }
0x71: {  	v58 =	vnsel vm15, $0x0, v3;
	v59 =	vnsel vm5, $0x0, v3;
	v56 =	vsel vm12, v49, v54;
	[tilespmem:s17+$0x1300] =	vst v6  }
0x72: {  	vm6 =	veq.s32 v2, $0xA;
	vm7 =	veq.s32 v2, $0xB;
	v7 =	vsel vm13, v49, v55;
	[tilespmem:s19+$0x1000] =	vst v56  }
0x73: {  	vm8 =	veq.s32 v1, $0xC;
	vm9 =	veq.s32 v1, $0xD;
	v9 =	vsel vm4, v49, v57;
	[tilespmem:s17+$0x1800] =	vst v7  }
0x74: {  	vm11 =	veq.s32 v1, $0xE;
	vm14 =	veq.s32 v1, $0xF;
	v4 =	vsel vm6, v49, v58;
	[tilespmem:s29+$0x1000] =	vst v9  }
0x75: {  	v60 =	vnsel vm8, $0x0, v3;
	vm10 =	veq.s32 v2, $0xC;
	v6 =	vsel vm7, v49, v59;
	[tilespmem:s17+$0x1900] =	vst v4  }
0x76: {  	v61 =	vnsel vm9, $0x0, v3;
	vm12 =	veq.s32 v2, $0xD;
	v7 =	vsel vm10, v49, v60;
	[tilespmem:s30+$0x1000] =	vst v6  }
0x77: {  	v62 =	vnsel vm11, $0x0, v3;
	v63 =	vsel vm12, v49, v61;
	vm13 =	veq.s32 v2, $0xE;
	[tilespmem:s17+$0x1A00] =	vst v7  }
0x78: {  	vm15 =	veq.s32 v2, $0xF;
	v3 =	vnsel vm14, $0x0, v3;
	v4 =	vsel vm13, v49, v62;
	[tilespmem:s31+$0x1000] =	vst v63  }
0x79: {  	s16 =	sshrl.u32 s16, $0x2;
	v3 =	vsel vm15, v49, v3;
	s13 =	simm.s32 $0x100;
	s14 =	simm.s32 $0x80;
	[tilespmem:s17+$0x1B00] =	vst v4  }
0x7a: {  	s18 =	sand.u32 $0xFFFFFC00, s14;
	s17 =	sor.u32 s15, s16;
	s15 =	simm.s32 $0x10;
	[tilespmem:s23+$0x1000] =	vst v3  }
.LBB2_2:
0x7b: {  	s26 =	sadd.s32 s18, s15;
	[tilespmem:s17+$0x2000] =	vst v2  }
0x7c: {  	s16 =	sand.u32 $0x70, s15;
	s14 =	sand.u32 $0x7FFFFC00, s14;
	[tilespmem:s17+$0x2080] =	vst v1;
	s19 =	sor.u32 $0x80, s26  }
0x7d: {  	s18 =	sor.u32 s16, s14;
	v1 =	vld [tilespmem:s19+$0x0]  }
0x7e: {  	v2 =	vld [tilespmem:s18+$0x0];
	_ =	sdelay $0x2  }
0x7f: {  	v3 =	vld [tilespmem:s18+$0x100]  }
0x80: {  	s20 =	smov.u32 s13;
	vm0 =	vlt.f32 v1, $-Inf;
	vm1 =	vgt.f32 v1, $-Inf  }
0x81: {  	s17 =	sshrl.u32 s14, $0x2;
	s14 =	smov.u32 s20;
	s20 =	sor.u32 $0x180, s26;
	vm2 =	vgt.f32 v1, v2;
	vm0 =	vmor vm1, vm0  }
0x82: {  	v6 =	vld [tilespmem:s20+$0x0];
	vm10 =	vmneg vm2;
	v4 =	vnsel vm0, $0xFF800000, v1  }
0x83: {  	v4 =	vsel vm10, v4, v2  }
0x84: {  	v1 =	vsel vm10, v2, v1;
	vm11 =	vgt.f32 v3, v4  }
0x85: {  	v7 =	vld [tilespmem:s18+$0x200];
	vm1 =	vgt.f32 v3, v1;
	v4 =	vsel vm11, v3, v4  }
0x86: {  	v5 =	vsel vm2, $0x1, v0;
	vm0 =	vmand vm10, vm0;
	v4 =	vsel vm1, v1, v4  }
0x87: {  	s21 =	sor.u32 $0x280, s26;
	v2 =	vsel vm0, $0x1, v0;
	v1 =	vsel vm1, v3, v1;
	vm12 =	vgt.f32 v6, v4  }
0x88: {  	v9 =	vld [tilespmem:s21+$0x0];
	v2 =	vsel vm11, $0x2, v2;
	vm13 =	vgt.f32 v6, v1;
	v4 =	vsel vm12, v6, v4  }
0x89: {  	v2 =	vsel vm1, v5, v2;
	v3 =	vsel vm1, $0x2, v5;
	v4 =	vsel vm13, v1, v4  }
0x8a: {  	v2 =	vsel vm12, $0x3, v2;
	v1 =	vsel vm13, v6, v1;
	vm14 =	vgt.f32 v7, v4  }
0x8b: {  	v10 =	vld [tilespmem:s18+$0x300];
	v2 =	vsel vm13, v3, v2;
	vm1 =	vgt.f32 v7, v1;
	v4 =	vsel vm14, v7, v4  }
0x8c: {  	v3 =	vsel vm13, $0x3, v3;
	v2 =	vsel vm14, $0x4, v2;
	v4 =	vsel vm1, v1, v4  }
0x8d: {  	s22 =	sor.u32 $0x380, s26;
	v2 =	vsel vm1, v3, v2;
	v1 =	vsel vm1, v7, v1;
	vm15 =	vgt.f32 v9, v4  }
0x8e: {  	v11 =	vld [tilespmem:s22+$0x0];
	v3 =	vsel vm1, $0x4, v3;
	vm1 =	vgt.f32 v9, v1;
	v4 =	vsel vm15, v9, v4  }
0x8f: {  	v2 =	vsel vm15, $0x5, v2;
	v4 =	vsel vm1, v1, v4  }
0x90: {  	s23 =	sor.u32 $0x800, s18;
	v2 =	vsel vm1, v3, v2;
	v1 =	vsel vm1, v9, v1;
	vm4 =	vgt.f32 v10, v4  }
0x91: {  	v12 =	vld [tilespmem:s23+$0x0];
	v3 =	vsel vm1, $0x5, v3;
	vm1 =	vgt.f32 v10, v1;
	v4 =	vsel vm4, v10, v4  }
0x92: {  	v4 =	vsel vm1, v1, v4  }
0x93: {  	s29 =	sor.u32 $0x880, s26;
	v1 =	vsel vm1, v10, v1;
	vm5 =	vgt.f32 v11, v4  }
0x94: {  	v13 =	vld [tilespmem:s29+$0x0];
	v2 =	vsel vm4, $0x6, v2;
	vm6 =	vgt.f32 v11, v1;
	v4 =	vsel vm5, v11, v4  }
0x95: {  	v2 =	vsel vm1, v3, v2;
	v4 =	vsel vm6, v1, v4  }
0x96: {  	s24 =	sor.u32 $0x900, s18;
	v3 =	vsel vm1, $0x6, v3;
	v1 =	vsel vm6, v11, v1;
	vm7 =	vgt.f32 v12, v4  }
0x97: {  	v14 =	vld [tilespmem:s24+$0x0];
	v2 =	vsel vm5, $0x7, v2;
	vm8 =	vgt.f32 v12, v1;
	v4 =	vsel vm7, v12, v4  }
0x98: {  	v2 =	vsel vm6, v3, v2;
	v4 =	vsel vm8, v1, v4  }
0x99: {  	s30 =	sor.u32 $0x980, s26;
	v3 =	vsel vm6, $0x7, v3;
	v1 =	vsel vm8, v12, v1;
	vm9 =	vgt.f32 v13, v4  }
0x9a: {  	v15 =	vld [tilespmem:s30+$0x0];
	v2 =	vsel vm7, $0x8, v2;
	vm10 =	vgt.f32 v13, v1;
	v4 =	vsel vm9, v13, v4  }
0x9b: {  	v2 =	vsel vm8, v3, v2;
	v3 =	vsel vm8, $0x8, v3;
	v4 =	vsel vm10, v1, v4  }
0x9c: {  	s25 =	sor.u32 $0xA00, s18;
	v2 =	vsel vm9, $0x9, v2;
	v1 =	vsel vm10, v13, v1;
	vm11 =	vgt.f32 v14, v4  }
0x9d: {  	v16 =	vld [tilespmem:s25+$0x0];
	v2 =	vsel vm10, v3, v2;
	vm12 =	vgt.f32 v14, v1;
	v4 =	vsel vm11, v14, v4  }
0x9e: {  	v3 =	vsel vm10, $0x9, v3;
	v2 =	vsel vm11, $0xA, v2;
	v4 =	vsel vm12, v1, v4  }
0x9f: {  	s31 =	sor.u32 $0xA80, s26;
	v8 =	vsel vm12, $0xA, v3;
	v1 =	vsel vm12, v14, v1;
	vm13 =	vgt.f32 v15, v4  }
0xa0: {  	v17 =	vld [tilespmem:s31+$0x0];
	v2 =	vsel vm12, v3, v2;
	vm1 =	vgt.f32 v15, v1;
	v3 =	vsel vm13, v15, v4  }
0xa1: {  	v2 =	vsel vm13, $0xB, v2;
	v3 =	vsel vm1, v1, v3  }
0xa2: {  	s28 =	sor.u32 $0xB00, s18;
	v18 =	vsel vm1, $0xB, v8;
	v1 =	vsel vm1, v15, v1;
	vm14 =	vgt.f32 v16, v3  }
0xa3: {  	v19 =	vld [tilespmem:s28+$0x0];
	v2 =	vsel vm1, v8, v2;
	vm1 =	vgt.f32 v16, v1;
	v3 =	vsel vm14, v16, v3  }
0xa4: {  	v3 =	vsel vm1, v1, v3  }
0xa5: {  	s26 =	sor.u32 $0xB80, s26;
	v1 =	vsel vm1, v16, v1;
	vm15 =	vgt.f32 v17, v3  }
0xa6: {  	v21 =	vld [tilespmem:s26+$0x0];
	vm4 =	vgt.f32 v17, v1;
	v3 =	vsel vm15, v17, v3  }
0xa7: {  	v3 =	vsel vm4, v1, v3  }
0xa8: {  	v1 =	vsel vm4, v17, v1;
	vm5 =	vgt.f32 v19, v3  }
0xa9: {  	vm6 =	vgt.f32 v19, v1;
	v3 =	vsel vm5, v19, v3  }
0xaa: {  	v3 =	vsel vm6, v1, v3  }
0xab: {  	v5 =	vsel vm6, v19, v1;
	vm7 =	vgt.f32 v21, v3  }
0xac: {  	vm8 =	vgt.f32 v21, v5;
	v3 =	vsel vm7, v21, v3  }
0xad: {  	v23 =	vsel vm8, v21, v5;
	v3 =	vsel vm8, v5, v3  }
0xae: {  	v3 =	vsub.f32 v3, v23;
	_ =	sdelay $0x1  }
0xaf: {  	v2 =	vsel vm14, $0xC, v2;
	v3 =	vmul.f32 $1.442695020e+00, v3  }
0xb0: {  	v25 =	vimm.s32 $0x0;
	v26 =	vimm.s32 $0x0;
	v2 =	vsel vm1, v18, v2  }
0xb1: {  	v20 =	vsel vm1, $0xC, v18;
	v2 =	vsel vm15, $0xD, v2;
	(erf) = vpow2.f32 v3  }
0xb2: {  	v27 =	vimm.s32 $0x0;
	v28 =	vimm.s32 $0x0;
	v2 =	vsel vm4, v20, v2  }
0xb3: {  	v29 =	vimm.s32 $0x0;
	v22 =	vsel vm4, $0xD, v20;
	v2 =	vsel vm5, $0xE, v2  }
0xb4: {  	v30 =	vimm.s32 $0x0;
	v31 =	vimm.s32 $0x0;
	v1 =	vsel vm6, v22, v2  }
0xb5: {  	v32 =	vimm.s32 $0x0;
	v2 =	vsel vm6, $0xE, v22;
	v1 =	vsel vm7, $0xF, v1  }
0xb6: {  	v33 =	vimm.s32 $0x0;
	v1 =	vsel vm8, v2, v1;
	v2 =	vsel vm8, $0xF, v2  }
0xb7: {  	v34 =	vimm.s32 $0x0;
	v35 =	vimm.s32 $0x0;
	vm9 =	veq.s32 v2, $0xE  }
0xb8: {  	v36 =	vimm.s32 $0x0;
	vm10 =	veq.s32 v1, $0xF;
	v4 =	vsel vm9, $0xFFFFFFFF, v25  }
0xb9: {  	v37 =	vimm.s32 $0x0;
	vm11 =	veq.s32 v2, $0xC;
	[tilespmem:$0x1FF10] =	vst v4;
	v4 =	vsel vm10, $0xFFFFFFFF, v26  }
0xba: {  	v38 =	vimm.s32 $0x0;
	vm12 =	veq.s32 v2, $0xD;
	[tilespmem:$0x1FF20] =	vst v4;
	v4 =	vsel vm11, $0xFFFFFFFF, v27;
	v3 =	vpop (erf)  }
0xbb: {  	vm13 =	veq.s32 v1, $0xE;
	[tilespmem:$0x1FEF0] =	vst v4;
	v4 =	vsel vm12, $0xFFFFFFFF, v28;
	v24 =	vadd.f32 $1.000000000e+00, v3  }
0xbc: {  	v39 =	vimm.s32 $0x0;
	vm14 =	veq.s32 v2, $0xB;
	[tilespmem:$0x1FF00] =	vst v4;
	v4 =	vsel vm13, $0xFFFFFFFF, v29  }
0xbd: {  	vm15 =	veq.s32 v1, $0xC;
	[tilespmem:$0x1FEE0] =	vst v4;
	v4 =	vsel vm14, $0xFFFFFFFF, v30;
	(erf) = vrcp.f32 v24  }
0xbe: {  	vm4 =	veq.s32 v1, $0xD;
	vm5 =	veq.s32 v2, $0x9;
	[tilespmem:$0x1FEB0] =	vst v4;
	v4 =	vsel vm15, $0xFFFFFFFF, v31  }
0xbf: {  	vm6 =	veq.s32 v2, $0xA;
	vm7 =	veq.s32 v1, $0xB;
	[tilespmem:$0x1FEC0] =	vst v4;
	v4 =	vsel vm4, $0xFFFFFFFF, v32  }
0xc0: {  	vm8 =	veq.s32 v2, $0x8;
	vm3 =	veq.s32 v2, $0x1;
	[tilespmem:$0x1FED0] =	vst v4;
	v4 =	vsel vm5, $0xFFFFFFFF, v33  }
0xc1: {  	vm0 =	veq.s32 v1, $0x0;
	vm1 =	veq.s32 v1, $0x1;
	[tilespmem:$0x1FE90] =	vst v4;
	v4 =	vsel vm6, $0xFFFFFFFF, v34  }
0xc2: {  	vm2 =	veq.s32 v1, $0x2;
	vm9 =	veq.s32 v1, $0x9;
	[tilespmem:$0x1FEA0] =	vst v4;
	v4 =	vsel vm7, $0xFFFFFFFF, v35  }
0xc3: {  	vm10 =	veq.s32 v1, $0xA;
	vm11 =	veq.s32 v2, $0x6;
	[tilespmem:$0x1FE80] =	vst v4;
	v4 =	vsel vm8, $0xFFFFFFFF, v36  }
0xc4: {  	vm12 =	veq.s32 v1, $0x6;
	vm13 =	veq.s32 v1, $0x7;
	v57 =	vld [tilespmem:$0x1FEB0];
	[tilespmem:$0x1FE50] =	vst v4;
	v4 =	vsel vm9, $0xFFFFFFFF, v37  }
0xc5: {  	vm14 =	veq.s32 v1, $0x8;
	vm15 =	veq.s32 v2, $0x7;
	v58 =	vld [tilespmem:$0x1FEC0];
	[tilespmem:$0x1FE60] =	vst v4;
	v4 =	vsel vm10, $0xFFFFFFFF, v38  }
0xc6: {  	vm4 =	veq.s32 v2, $0x0;
	vm5 =	veq.s32 v2, $0x2;
	v59 =	vld [tilespmem:$0x1FED0];
	[tilespmem:$0x1FE70] =	vst v4;
	v4 =	vsel vm11, $0xFFFFFFFF, v39;
	v40 =	vpop (erf)  }
0xc7: {  	vm6 =	veq.s32 v1, $0x4;
	vm7 =	veq.s32 v1, $0x3;
	v52 =	vld [tilespmem:$0x1FE50];
	[tilespmem:$0x1FE40] =	vst v4;
	v3 =	vmul.f32 v40, v3  }
0xc8: {  	vm8 =	veq.s32 v1, $0x5;
	vm9 =	veq.s32 v2, $0x4;
	vm10 =	veq.s32 v2, $0x3;
	v50 =	vld [tilespmem:$0x1FE40]  }
0xc9: {  	vm11 =	veq.s32 v2, $0x5;
	v53 =	vld [tilespmem:$0x1FE60];
	v41 =	vnsel vm0, $0x0, v3;
	v42 =	vnsel vm1, $0x0, v3  }
0xca: {  	v56 =	vld [tilespmem:$0x1FEA0];
	v43 =	vnsel vm2, $0x0, v3;
	v44 =	vnsel vm7, $0x0, v3;
	v5 =	vsel vm4, v40, v41  }
0xcb: {  	v11 =	vld [tilespmem:$0x1FE80];
	v45 =	vnsel vm6, $0x0, v3;
	v9 =	vnsel vm8, $0x0, v3;
	v6 =	vsel vm3, v40, v42;
	[tilespmem:s18+$0x1000] =	vst v5  }
0xcc: {  	v54 =	vld [tilespmem:$0x1FE70];
	v48 =	vnsel vm12, $0x0, v3;
	v49 =	vnsel vm13, $0x0, v3;
	v7 =	vsel vm5, v40, v43;
	[tilespmem:s19+$0x1000] =	vst v6  }
0xcd: {  	v55 =	vld [tilespmem:$0x1FE90];
	v10 =	vnsel vm14, $0x0, v3;
	vm12 =	vnez.u8 v50;
	v5 =	vsel vm10, v40, v44;
	[tilespmem:s18+$0x1100] =	vst v7  }
0xce: {  	v60 =	vld [tilespmem:$0x1FEF0];
	vm13 =	vnez.u8 v52;
	vm14 =	vnez.u8 v53;
	v46 =	vsel vm9, v40, v45;
	[tilespmem:s20+$0x1000] =	vst v5  }
0xcf: {  	v62 =	vld [tilespmem:$0x1FF10];
	vm6 =	vnez.u8 v56;
	vm7 =	vnez.u8 v57;
	v47 =	vsel vm11, v40, v9;
	[tilespmem:s18+$0x1200] =	vst v46  }
0xd0: {  	v12 =	vld [tilespmem:$0x1FEE0];
	vm8 =	vnez.u8 v58;
	v51 =	vsel vm15, v40, v49;
	v5 =	vsel vm12, v40, v48;
	[tilespmem:s21+$0x1000] =	vst v47  }
0xd1: {  	v61 =	vld [tilespmem:$0x1FF00];
	v9 =	vsel vm13, v40, v10;
	vm15 =	vnez.u8 v54;
	vm4 =	vnez.u8 v11;
	[tilespmem:s18+$0x1300] =	vst v5  }
0xd2: {  	v63 =	vld [tilespmem:$0x1FF20];
	vm5 =	vnez.u8 v55;
	vm9 =	vnez.u8 v59;
	v6 =	vnsel vm14, $0x0, v3;
	[tilespmem:s22+$0x1000] =	vst v51  }
0xd3: {  	vm11 =	vnez.u8 v60;
	v10 =	vnsel vm15, $0x0, v3;
	v6 =	vsel vm5, v40, v6;
	[tilespmem:s18+$0x1800] =	vst v9  }
0xd4: {  	vm13 =	vnez.u8 v62;
	v11 =	vnsel vm4, $0x0, v3;
	v8 =	vsel vm6, v40, v10;
	[tilespmem:s29+$0x1000] =	vst v6  }
0xd5: {  	p0 =	sne.s32 s13, $0x780;
	vm10 =	vnez.u8 v12;
	v10 =	vsel vm7, v40, v11;
	v5 =	vnsel vm8, $0x0, v3;
	[tilespmem:s18+$0x1900] =	vst v8  }
.Ltmp0:
0xd6: {  	v11 =	vnsel vm9, $0x0, v3;
	vm12 =	vnez.u8 v61;
	v5 =	vsel vm11, v40, v5;
	[tilespmem:s30+$0x1000] =	vst v10;
	(pc) =	sbr.rel @p0 .LBB2_2-.Ltmp0, $4  }
0xd7: {  	vm15 =	vnez.u8 v63;
	v12 =	vnsel vm10, $0x0, v3;
	v7 =	vsel vm12, v40, v11;
	[tilespmem:s18+$0x1A00] =	vst v5  }
0xd8: {  	vm14 =	veq.s32 v2, $0xF;
	v11 =	vsel vm13, v40, v12;
	v3 =	vnsel vm15, $0x0, v3;
	[tilespmem:s31+$0x1000] =	vst v7  }
0xd9: {  	s13 =	sadd.s32 $0x80, s13;
	v3 =	vsel vm14, v40, v3;
	[tilespmem:s18+$0x1B00] =	vst v11  }
0xda: {  	s15 =	sadd.s32 $0x10, s15;
	s17 =	sor.u32 s16, s17;
	s18 =	sand.u32 $0xFFFFFC00, s14;
	[tilespmem:s26+$0x1000] =	vst v3  }
0xdb: {  	s23 =	sadd.s32 s18, s15;
	[tilespmem:s17+$0x2000] =	vst v2  }
0xdc: {  	s13 =	sand.u32 $0x70, s15;
	s14 =	sand.u32 $0x7FFFFC00, s14;
	[tilespmem:s17+$0x2080] =	vst v1;
	s16 =	sor.u32 $0x80, s23  }
0xdd: {  	s15 =	sor.u32 s13, s14;
	v1 =	vld [tilespmem:s16+$0x0]  }
0xde: {  	v2 =	vld [tilespmem:s15+$0x0];
	_ =	sdelay $0x2  }
0xdf: {  	v3 =	vld [tilespmem:s15+$0x100]  }
0xe0: {  	vm0 =	vlt.f32 v1, $-Inf;
	vm1 =	vgt.f32 v1, $-Inf  }
0xe1: {  	vm13 =	vgt.f32 v1, v2;
	vm0 =	vmor vm1, vm0  }
0xe2: {  	s28 =	sor.u32 $0x180, s23;
	vm15 =	vmneg vm13;
	v4 =	vnsel vm0, $0xFF800000, v1  }
0xe3: {  	v5 =	vld [tilespmem:s28+$0x0];
	v4 =	vsel vm15, v4, v2  }
0xe4: {  	v1 =	vsel vm15, v2, v1;
	v2 =	vimm.s32 $0x0;
	vm7 =	vgt.f32 v3, v4  }
0xe5: {  	v2 =	vsel vm7, $0xFFFFFFFF, v2  }
0xe6: {  	vm11 =	vgt.f32 v3, v1;
	[tilespmem:$0x1FD70] =	vst v2;
	v2 =	vsel vm7, v3, v4  }
0xe7: {  	v24 =	vld [tilespmem:s15+$0x200];
	v2 =	vsel vm11, v1, v2  }
0xe8: {  	v1 =	vsel vm11, v3, v1;
	v3 =	vimm.s32 $0x0;
	vm12 =	vgt.f32 v5, v2  }
0xe9: {  	s18 =	sor.u32 $0x280, s23;
	v3 =	vsel vm12, $0xFFFFFFFF, v3  }
0xea: {  	vm9 =	vgt.f32 v5, v1;
	v2 =	vsel vm12, v5, v2;
	[tilespmem:$0x1FD80] =	vst v3;
	v3 =	vld [tilespmem:s18+$0x0]  }
0xeb: {  	v2 =	vsel vm9, v1, v2  }
0xec: {  	v1 =	vsel vm9, v5, v1;
	vm14 =	vgt.f32 v24, v2  }
0xed: {  	v26 =	vld [tilespmem:s15+$0x300];
	vm8 =	vgt.f32 v24, v1;
	v2 =	vsel vm14, v24, v2  }
0xee: {  	v2 =	vsel vm8, v1, v2  }
0xef: {  	v1 =	vsel vm8, v24, v1;
	vm4 =	vgt.f32 v3, v2  }
0xf0: {  	s19 =	sor.u32 $0x380, s23;
	vm10 =	vgt.f32 v3, v1;
	v2 =	vsel vm4, v3, v2  }
0xf1: {  	v28 =	vld [tilespmem:s19+$0x0];
	v2 =	vsel vm10, v1, v2  }
0xf2: {  	v1 =	vsel vm10, v3, v1;
	v3 =	vimm.s32 $0x0;
	vm5 =	vgt.f32 v26, v2  }
0xf3: {  	s20 =	sor.u32 $0x800, s15;
	v3 =	vsel vm5, $0xFFFFFFFF, v3  }
0xf4: {  	vm12 =	vgt.f32 v26, v1;
	v2 =	vsel vm5, v26, v2;
	[tilespmem:$0x1FDB0] =	vst v3;
	v3 =	vld [tilespmem:s20+$0x0]  }
0xf5: {  	v2 =	vsel vm12, v1, v2  }
0xf6: {  	v25 =	vimm.s32 $0x0;
	s29 =	sor.u32 $0x880, s23;
	v1 =	vsel vm12, v26, v1;
	vm6 =	vgt.f32 v28, v2  }
0xf7: {  	v30 =	vld [tilespmem:s29+$0x0];
	v5 =	vsel vm14, $0xFFFFFFFF, v25;
	vm14 =	vgt.f32 v28, v1;
	v2 =	vsel vm6, v28, v2  }
0xf8: {  	v27 =	vimm.s32 $0x0;
	v31 =	vimm.s32 $0x0;
	v2 =	vsel vm14, v1, v2  }
0xf9: {  	v4 =	vsel vm4, $0xFFFFFFFF, v27;
	v1 =	vsel vm14, v28, v1;
	vm7 =	vgt.f32 v3, v2  }
0xfa: {  	s21 =	sor.u32 $0x900, s15;
	[tilespmem:$0x1FDA0] =	vst v4;
	v4 =	vsel vm7, $0xFFFFFFFF, v31;
	v2 =	vsel vm7, v3, v2;
	vm7 =	vgt.f32 v3, v1  }
0xfb: {  	v32 =	vld [tilespmem:s21+$0x0];
	v2 =	vsel vm7, v1, v2  }
0xfc: {  	v1 =	vsel vm7, v3, v1;
	v3 =	vimm.s32 $0x0;
	vm4 =	vgt.f32 v30, v2  }
0xfd: {  	v29 =	vimm.s32 $0x0;
	s30 =	sor.u32 $0x980, s23;
	[tilespmem:$0x1FD90] =	vst v5;
	v3 =	vsel vm4, $0xFFFFFFFF, v3  }
0xfe: {  	v5 =	vsel vm6, $0xFFFFFFFF, v29;
	vm6 =	vgt.f32 v30, v1;
	v2 =	vsel vm4, v30, v2;
	[tilespmem:$0x1FDE0] =	vst v3;
	v3 =	vld [tilespmem:s30+$0x0]  }
0xff: {  	v2 =	vsel vm6, v1, v2  }
0x100: {  	v33 =	vimm.s32 $0x0;
	s22 =	sor.u32 $0xA00, s15;
	v1 =	vsel vm6, v30, v1;
	vm5 =	vgt.f32 v32, v2  }
0x101: {  	v34 =	vld [tilespmem:s22+$0x0];
	[tilespmem:$0x1FDC0] =	vst v5;
	v5 =	vsel vm5, $0xFFFFFFFF, v33;
	v2 =	vsel vm5, v32, v2;
	vm5 =	vgt.f32 v32, v1  }
0x102: {  	v2 =	vsel vm5, v1, v2  }
0x103: {  	v35 =	vimm.s32 $0x0;
	v1 =	vsel vm5, v32, v1;
	vm4 =	vgt.f32 v3, v2  }
0x104: {  	s31 =	sor.u32 $0xA80, s23;
	[tilespmem:$0x1FDD0] =	vst v4;
	v4 =	vsel vm4, $0xFFFFFFFF, v35;
	v2 =	vsel vm4, v3, v2;
	vm4 =	vgt.f32 v3, v1  }
0x105: {  	v36 =	vld [tilespmem:s31+$0x0];
	v2 =	vsel vm4, v1, v2  }
0x106: {  	v1 =	vsel vm4, v3, v1;
	v3 =	vimm.s32 $0x0;
	vm1 =	vgt.f32 v34, v2  }
0x107: {  	s24 =	sor.u32 $0xB00, s15;
	v3 =	vsel vm1, $0xFFFFFFFF, v3  }
0x108: {  	vm3 =	vgt.f32 v34, v1;
	v2 =	vsel vm1, v34, v2;
	[tilespmem:$0x1FE10] =	vst v3;
	v3 =	vld [tilespmem:s24+$0x0]  }
0x109: {  	s23 =	sor.u32 $0xB80, s23;
	v2 =	vsel vm3, v1, v2  }
0x10a: {  	v38 =	vld [tilespmem:s23+$0x0];
	v1 =	vsel vm3, v34, v1;
	vm1 =	vgt.f32 v36, v2  }
0x10b: {  	v6 =	vld [tilespmem:$0x1FD70];
	vm2 =	vgt.f32 v36, v1;
	v2 =	vsel vm1, v36, v2  }
0x10c: {  	v37 =	vimm.s32 $0x0;
	v39 =	vimm.s32 $0x0;
	v2 =	vsel vm2, v1, v2  }
0x10d: {  	[tilespmem:$0x1FDF0] =	vst v5;
	v5 =	vsel vm1, $0xFFFFFFFF, v37;
	v1 =	vsel vm2, v36, v1;
	vm1 =	vgt.f32 v3, v2  }
0x10e: {  	v41 =	vld [tilespmem:$0x1FD80];
	[tilespmem:$0x1FE00] =	vst v4;
	v4 =	vsel vm1, $0xFFFFFFFF, v39;
	v2 =	vsel vm1, v3, v2;
	vm1 =	vgt.f32 v3, v1  }
0x10f: {  	v40 =	vsel vm13, $0x1, v0;
	vm0 =	vmand vm15, vm0;
	v2 =	vsel vm1, v1, v2  }
0x110: {  	vm15 =	vnez.u8 v6;
	v42 =	vld [tilespmem:$0x1FD90];
	v1 =	vsel vm1, v3, v1;
	vm13 =	vgt.f32 v38, v2  }
0x111: {  	v3 =	vsel vm0, $0x1, v0;
	vm0 =	vgt.f32 v38, v1;
	v2 =	vsel vm13, v38, v2  }
0x112: {  	v3 =	vsel vm15, $0x2, v3;
	v2 =	vsel vm0, v1, v2;
	v1 =	vsel vm0, v38, v1  }
0x113: {  	vm15 =	vnez.u8 v41;
	v3 =	vsel vm11, v40, v3;
	v1 =	vsub.f32 v2, v1  }
0x114: {  	v3 =	vsel vm15, $0x3, v3;
	v2 =	vsel vm11, $0x2, v40  }
0x115: {  	vm15 =	vnez.u8 v42;
	v3 =	vsel vm9, v2, v3;
	v1 =	vmul.f32 $1.442695020e+00, v1  }
0x116: {  	v2 =	vsel vm9, $0x3, v2;
	v3 =	vsel vm15, $0x4, v3  }
0x117: {  	v3 =	vsel vm8, v2, v3;
	(erf) = vpow2.f32 v1;
	v1 =	vsel vm8, $0x4, v2;
	v2 =	vld [tilespmem:$0x1FDA0];
	_ =	sdelay $0x4  }
0x118: {  	vm15 =	vnez.u8 v2  }
0x119: {  	v2 =	vsel vm15, $0x5, v3;
	v3 =	vld [tilespmem:$0x1FDB0];
	_ =	sdelay $0x4  }
0x11a: {  	vm15 =	vnez.u8 v3;
	v3 =	vld [tilespmem:$0x1FDC0];
	_ =	sdelay $0x2  }
0x11b: {  	v2 =	vsel vm10, v1, v2  }
0x11c: {  	v1 =	vsel vm10, $0x5, v1;
	v2 =	vsel vm15, $0x6, v2  }
0x11d: {  	v2 =	vsel vm12, v1, v2;
	v1 =	vsel vm12, $0x6, v1;
	vm12 =	vnez.u8 v3;
	v3 =	vld [tilespmem:$0x1FDD0];
	_ =	sdelay $0x4  }
0x11e: {  	vm15 =	vnez.u8 v3;
	v3 =	vld [tilespmem:$0x1FDE0];
	_ =	sdelay $0x1  }
0x11f: {  	v44 =	vld [tilespmem:$0x1FDF0];
	v2 =	vsel vm12, $0x7, v2  }
0x120: {  	v2 =	vsel vm14, v1, v2  }
0x121: {  	v45 =	vld [tilespmem:$0x1FE00];
	v1 =	vsel vm14, $0x7, v1;
	v2 =	vsel vm15, $0x8, v2  }
0x122: {  	v2 =	vsel vm7, v1, v2;
	vm11 =	vnez.u8 v3  }
0x123: {  	v46 =	vld [tilespmem:$0x1FE10];
	v1 =	vsel vm7, $0x8, v1;
	v3 =	vpop (erf);
	v2 =	vsel vm11, $0x9, v2  }
0x124: {  	[tilespmem:$0x1FE20] =	vst v5;
	vm12 =	vnez.u8 v44;
	v43 =	vadd.f32 $1.000000000e+00, v3;
	v2 =	vsel vm6, v1, v2  }
0x125: {  	v47 =	vld [tilespmem:$0x1FE20];
	v1 =	vsel vm6, $0x9, v1;
	v2 =	vsel vm12, $0xA, v2  }
0x126: {  	[tilespmem:$0x1FE30] =	vst v4;
	vm14 =	vnez.u8 v45;
	(erf) = vrcp.f32 v43;
	v2 =	vsel vm5, v1, v2  }
0x127: {  	v48 =	vld [tilespmem:$0x1FE30];
	v1 =	vsel vm5, $0xA, v1;
	v2 =	vsel vm14, $0xB, v2  }
0x128: {  	vm15 =	vnez.u8 v46;
	v2 =	vsel vm4, v1, v2  }
0x129: {  	v1 =	vsel vm4, $0xB, v1;
	v2 =	vsel vm15, $0xC, v2  }
0x12a: {  	vm6 =	vnez.u8 v47;
	v2 =	vsel vm3, v1, v2  }
0x12b: {  	v1 =	vsel vm3, $0xC, v1;
	v2 =	vsel vm6, $0xD, v2  }
0x12c: {  	vm7 =	vnez.u8 v48;
	v2 =	vsel vm2, v1, v2  }
0x12d: {  	v1 =	vsel vm2, $0xD, v1;
	v2 =	vsel vm7, $0xE, v2  }
0x12e: {  	v2 =	vsel vm1, v1, v2  }
0x12f: {  	v1 =	vsel vm1, $0xE, v1;
	v49 =	vpop (erf);
	v2 =	vsel vm13, $0xF, v2  }
0x130: {  	v3 =	vmul.f32 v49, v3;
	v2 =	vsel vm0, v1, v2;
	v1 =	vsel vm0, $0xF, v1  }
0x131: {  	vm8 =	veq.s32 v2, $0x0;
	vm9 =	veq.s32 v2, $0x1;
	vm10 =	veq.s32 v1, $0x0  }
0x132: {  	vm11 =	veq.s32 v2, $0x2;
	vm12 =	veq.s32 v1, $0x1;
	vm13 =	veq.s32 v1, $0x2  }
0x133: {  	vm14 =	veq.s32 v2, $0x3;
	vm15 =	veq.s32 v2, $0x4;
	vm4 =	veq.s32 v1, $0x3  }
0x134: {  	vm5 =	veq.s32 v2, $0x5;
	vm6 =	veq.s32 v1, $0x4;
	vm7 =	veq.s32 v1, $0x5  }
0x135: {  	v50 =	vnsel vm8, $0x0, v3;
	v51 =	vnsel vm9, $0x0, v3;
	v7 =	vnsel vm11, $0x0, v3  }
0x136: {  	v8 =	vnsel vm14, $0x0, v3;
	v9 =	vnsel vm15, $0x0, v3;
	v10 =	vnsel vm5, $0x0, v3  }
0x137: {  	vm8 =	veq.s32 v2, $0x6;
	vm9 =	veq.s32 v2, $0x7;
	v5 =	vsel vm10, v49, v50  }
0x138: {  	vm11 =	veq.s32 v2, $0x8;
	vm14 =	veq.s32 v2, $0x9;
	v6 =	vsel vm12, v49, v51;
	[tilespmem:s15+$0x1000] =	vst v5  }
0x139: {  	vm15 =	veq.s32 v2, $0xA;
	vm5 =	veq.s32 v2, $0xB;
	v7 =	vsel vm13, v49, v7;
	[tilespmem:s16+$0x1000] =	vst v6  }
0x13a: {  	v8 =	vsel vm4, v49, v8;
	v9 =	vsel vm6, v49, v9;
	v52 =	vsel vm7, v49, v10;
	[tilespmem:s15+$0x1100] =	vst v7  }
0x13b: {  	v53 =	vnsel vm8, $0x0, v3;
	vm10 =	veq.s32 v1, $0x6;
	v54 =	vnsel vm9, $0x0, v3;
	[tilespmem:s28+$0x1000] =	vst v8  }
0x13c: {  	v55 =	vnsel vm11, $0x0, v3;
	vm12 =	veq.s32 v1, $0x7;
	vm13 =	veq.s32 v1, $0x8;
	[tilespmem:s15+$0x1200] =	vst v9  }
0x13d: {  	v57 =	vnsel vm14, $0x0, v3;
	vm4 =	veq.s32 v1, $0x9;
	v6 =	vsel vm10, v49, v53;
	[tilespmem:s18+$0x1000] =	vst v52  }
0x13e: {  	v58 =	vnsel vm15, $0x0, v3;
	v59 =	vnsel vm5, $0x0, v3;
	v56 =	vsel vm12, v49, v54;
	[tilespmem:s15+$0x1300] =	vst v6  }
0x13f: {  	vm6 =	veq.s32 v1, $0xA;
	vm7 =	veq.s32 v1, $0xB;
	v7 =	vsel vm13, v49, v55;
	[tilespmem:s19+$0x1000] =	vst v56  }
0x140: {  	vm8 =	veq.s32 v2, $0xC;
	vm9 =	veq.s32 v2, $0xD;
	v9 =	vsel vm4, v49, v57;
	[tilespmem:s15+$0x1800] =	vst v7  }
0x141: {  	vm11 =	veq.s32 v2, $0xE;
	vm14 =	veq.s32 v2, $0xF;
	v5 =	vsel vm6, v49, v58;
	[tilespmem:s29+$0x1000] =	vst v9  }
0x142: {  	v60 =	vnsel vm8, $0x0, v3;
	vm10 =	veq.s32 v1, $0xC;
	v6 =	vsel vm7, v49, v59;
	[tilespmem:s15+$0x1900] =	vst v5  }
0x143: {  	v61 =	vnsel vm9, $0x0, v3;
	vm12 =	veq.s32 v1, $0xD;
	v7 =	vsel vm10, v49, v60;
	[tilespmem:s30+$0x1000] =	vst v6  }
0x144: {  	v62 =	vnsel vm11, $0x0, v3;
	v63 =	vsel vm12, v49, v61;
	vm13 =	veq.s32 v1, $0xE;
	[tilespmem:s15+$0x1A00] =	vst v7  }
0x145: {  	vm15 =	veq.s32 v1, $0xF;
	v3 =	vnsel vm14, $0x0, v3;
	v5 =	vsel vm13, v49, v62;
	[tilespmem:s31+$0x1000] =	vst v63  }
0x146: {  	s14 =	sshrl.u32 s14, $0x2;
	v3 =	vsel vm15, v49, v3;
	[tilespmem:s15+$0x1B00] =	vst v5  }
0x147: {  	s13 =	sor.u32 s13, s14;
	[tilespmem:s23+$0x1000] =	vst v3  }
0x148: {  	[tilespmem:s13+$0x2000] =	vst v1  }
0x149: {  	[tilespmem:s13+$0x2080] =	vst v2  }
0x14a: {  	[hbm4b:s4+s7] =	stream.strided.scatter [tilespmem:s10], [sflag:$0x1], $0x1000, s8, s7, $0x38;
	[tilespmem:$0x2200] =	vst v63  }
0x14b: {  	s12 =	sadd.s32 $0x1, s12;
	_ =	swait.ge [sflag:s9], $0x1000  }
0x14c: {  	p0 =	sne.s32 s12, s6;
	[sflag:s9] =	ssyncset.done $0x0  }
.Ltmp1:
0x14d: {  	[sflag:s9] =	ssyncadd.s32 $0xFFFFF000;
	(pc) =	sbr.rel @p0 .LBB2_1-.Ltmp1, $4  }
0x14e: {  	[hbm4b:s5+s2] =	stream.linear.scatter [tilespmem:s11], [sflag:$0x1], $0x200, $0x38;
	[tilespmem:$0x2200] =	vst v63  }
0x14f: {  	_ =	swait.ge [sflag:s9], $0x200  }
0x150: {  	[sflag:s9] =	ssyncset.done $0x0  }
0x151: {  	[sflag:s9] =	ssyncadd.s32 $0xFFFFFE00  }
0x152: {  	_ =	sfence.sel $0x180000  }
0x153: {  	[bflag:$0x0] =	sbarrier.arrive $0xFFFF  }
0x154: {  	p0 =	sne.s32 s1, $0x0;
	_ =	strace $0x90000047  }
0x155: {  	s0 =	sadd.s32 @!p0 $0x100000, s0;
	[bflag:$0x2] =	sbarrier.arrive $0xFFFF  }
0x156: {  	[sflag:s0] =	ssyncadd.tile.s32 @!p0 $0x1;
	_ =	shalt  }
.Lfunc_end2:
_tile_overlayer_lowered:
.L_overlay_start_2:
0x157: {  	(tag) =	ssettag $0x2  }
0x158: {  	s0 =	rddreg [dreg:$0x0];
	s2 =	stileid.u32  }
0x159: {  	s1 =	rddreg [dreg:$0x1];
	p0 =	sne.s32 s2, $0x0  }
0x15a: {  	s3 =	rddreg [dreg:$0x2];
	[bflag:$0x3] =	sbarrier.arrive $0xFFFF;
	s2 =	simm.s32 @!p0 $0x1C01  }
0x15b: {  	[timem:s3], [sflag:s2] =	dma.local @!p0 [hbm:s0], s1  }
0x15c: {  	s0 =	simm.s32 @!p0 $0x1  }
0x15d: {  	_ =	swait.ge @!p0 [sflag:s0], s1  }
0x15e: {  	s1 =	ssub.s32 @!p0 $0x0, s1;
	[sflag:s0] =	ssyncset.done @!p0 $0x0  }
0x15f: {  	[sflag:s0] =	ssyncadd.s32 @!p0 s1  }
0x160: {  	[bflag:$0x3] =	sbarrier.arrive $0xFFFF  }
0x161: {  	_ =	shalt  }

</sc_bundles>
